<compile_context>
chip_gen: v7x
topology: tpu7x:2x2x1
jax: 0.10.2.dev20260603
libtpu: 0.0.44.dev20260713+nightly
codegen_flags: <defaults>
</compile_context>

<pallas_src>
import functools

import jax
import jax.numpy as jnp
from jax import lax
from jax.experimental import pallas as pl
from jax.experimental.pallas import tpu as pltpu
from jax.experimental.pallas import tpu_sc as plsc

_R = 4096
_CH = _R // 128
_K = 10


def _score_select_body(x_ref, w_ref, out_ref, scores, cmins, *, nb, n):
    b = pl.program_id(0)
    xb = x_ref[...]
    w128 = jnp.broadcast_to(w_ref[...], (w_ref.shape[0], 128))
    s_rep = jnp.dot(xb, w128,
                    preferred_element_type=jnp.float32)
    s3 = s_rep.reshape(_CH, 128, 128)
    r_io = lax.broadcasted_iota(jnp.int32, (128, 128), 0)
    c_io = lax.broadcasted_iota(jnp.int32, (128, 128), 1)
    eye = r_io == c_io
    s_row = jnp.sum(jnp.where(eye[None, :, :], s3, 0.0), axis=1)

    i0 = lax.broadcasted_iota(jnp.int32, (_CH, 128), 0)
    i1 = lax.broadcasted_iota(jnp.int32, (_CH, 128), 1)
    lane_r = i0 * 128 + i1
    gidx = b * _R + lane_r
    s_row = jnp.where(gidx < n, s_row, jnp.inf)
    scores[b] = s_row

    l128 = lax.broadcasted_iota(jnp.int32, (1, 128), 1)

    @pl.when(b == 0)
    def _init():
        cmins[...] = jnp.full((1, 128), jnp.inf, jnp.float32)

    cmins[...] = jnp.where(l128 == b, jnp.min(s_row), cmins[...])

    @pl.when(b == nb - 1)
    def _select():
        big = jnp.int32(2**30)
        inf = jnp.float32(jnp.inf)
        acc = jnp.zeros((8, 128), jnp.int32)
        a0 = lax.broadcasted_iota(jnp.int32, (8, 128), 0)
        a1 = lax.broadcasted_iota(jnp.int32, (8, 128), 1)

        for r in range(_K):
            cmv = cmins[...]
            m = jnp.min(cmv)
            c_best = jnp.min(jnp.where(cmv == m, l128, big))
            chunk = scores[c_best]
            pos = c_best * _R + lane_r
            bi = jnp.min(jnp.where(chunk == m, pos, big))
            acc = jnp.where((a0 == 0) & (a1 == r), bi, acc)
            newchunk = jnp.where(pos == bi, inf, chunk)
            scores[c_best] = newchunk
            cmins[...] = jnp.where(l128 == c_best, jnp.min(newchunk), cmv)

        out_ref[...] = acc


def _score_select(x2d, w_row):
    n, d = x2d.shape
    nb = (n + _R - 1) // _R
    return pl.pallas_call(
        functools.partial(_score_select_body, nb=nb, n=n),
        grid=(nb,),
        in_specs=[
            pl.BlockSpec((_R, d), lambda b: (b, 0)),
            pl.BlockSpec((d, 1), lambda b: (0, 0)),
        ],
        out_specs=pl.BlockSpec((8, 128), lambda b: (0, 0)),
        out_shape=jax.ShapeDtypeStruct((8, 128), jnp.int32),
        scratch_shapes=[
            pltpu.VMEM((nb, _CH, 128), jnp.float32),
            pltpu.VMEM((1, 128), jnp.float32),
        ],
    )(x2d, w_row)


def _make_sc_gather(n, d):
    mesh = plsc.VectorSubcoreMesh(core_axis_name="c", subcore_axis_name="s")

    @functools.partial(
        pl.kernel,
        mesh=mesh,
        out_type=jax.ShapeDtypeStruct((16, d), jnp.float32),
        scratch_types=[
            pltpu.VMEM((16,), jnp.int32),
            pltpu.VMEM((16, d), jnp.float32),
            pltpu.SemaphoreType.DMA,
        ],
    )
    def gather_k(x_hbm, idx_hbm, out_hbm, idx_v, rows_v, sem):
        wid = lax.axis_index("s") * 2 + lax.axis_index("c")

        @pl.when(wid == 0)
        def _():
            pltpu.sync_copy(idx_hbm, idx_v)
            pltpu.async_copy(x_hbm.at[idx_v], rows_v, sem).wait()
            pltpu.sync_copy(rows_v, out_hbm)

    return gather_k


def _rnn_body(rows_ref, w1_ref, b1_ref, w2_ref, b2_ref, w3_ref, b3_ref, out_ref):
    rows = rows_ref[...]
    feats = jnp.dot(rows, w1_ref[...],
                    preferred_element_type=jnp.float32) + b1_ref[...]
    state = jnp.zeros((1, 128), jnp.float32)
    for s in range(_K):
        st = jnp.dot(state, w2_ref[...],
                     preferred_element_type=jnp.float32) + b2_ref[...]
        state = jnp.maximum(st + feats[s:s + 1, :], 0.0)
    out_ref[...] = jnp.dot(state, w3_ref[...],
                           preferred_element_type=jnp.float32) + b3_ref[...]


def _rnn(rows, W1, b1, W2, b2, W3, b3):
    return pl.pallas_call(
        _rnn_body,
        out_shape=jax.ShapeDtypeStruct((1, 2), jnp.float32),
    )(rows, W1, b1, W2, b2, W3, b3)


def kernel(x, W_score, b_score, W1, b1, W2, b2, W3, b3):
    x2d = x[0]
    n, d = x2d.shape
    idx_grid = _score_select(x2d, W_score)
    idx16 = idx_grid[0, :16]
    rows = _make_sc_gather(n, d)(x2d, idx16)
    return _rnn(rows, W1, b1.reshape(1, 128), W2, b2.reshape(1, 128),
                W3, b3.reshape(1, 2))

# --- scband reference (transcript-rebuilt; emitter-appended) ---
"""Pipeline reference for scband-milrnn-31439160606995 (READ-ONLY COPY).

The authoritative reference and input builder live on the scoring server;
editing this copy changes nothing except your own understanding.
"""

import jax, jax.numpy as jnp
import numpy as np


def setup_inputs(seed: int = 0) -> dict:
    key = jax.random.key(seed)
    ks = jax.random.split(key, 9)
    N = 100000
    x = jax.random.normal(ks[0], (1, N, 512), dtype=jnp.float32)
    # score head of the (frozen) milmax model: Linear(512 -> 1)
    W_score = jax.random.normal(ks[1], (512, 1), dtype=jnp.float32) * 0.02
    b_score = jnp.zeros((1,), dtype=jnp.float32)
    # rnn_single(128): fc1 Linear(512->128), fc2 Linear(128->128), fc3 Linear(128->2)
    W1 = jax.random.normal(ks[2], (512, 128), dtype=jnp.float32) * 0.02
    b1 = jnp.zeros((128,), dtype=jnp.float32)
    W2 = jax.random.normal(ks[3], (128, 128), dtype=jnp.float32) * 0.02
    b2 = jnp.zeros((128,), dtype=jnp.float32)
    W3 = jax.random.normal(ks[4], (128, 2), dtype=jnp.float32) * 0.02
    b3 = jnp.zeros((2,), dtype=jnp.float32)
    return {"x": x, "W_score": W_score, "b_score": b_score,
            "W1": W1, "b1": b1, "W2": W2, "b2": b2, "W3": W3, "b3": b3}


def reference(x, W_score, b_score, W1, b1, W2, b2, W3, b3):
    # x plays the role of midfeats = model.encoder(input): [1, N, 512]
    midfeats = x
    # scores = model.score(midfeats).squeeze(-1): [1, N]
    scores = jnp.squeeze(jnp.einsum('bnd,dk->bnk', midfeats, W_score) + b_score, axis=-1)
    # top_indices = torch.argsort(scores, dim=-1)[:, :10]  (ascending, as in torch)
    top_indices = jnp.argsort(scores, axis=-1)[:, :10]
    # top_midfeats = torch.index_select(midfeats, dim=1, index=top_indices[0]) -> [1, 10, 512]
    top_midfeats = jnp.take(midfeats, top_indices[0], axis=1)
    # rnn over the 10 selected instances (fixing the original's off-by-one axis indexing)
    state = jnp.zeros((top_midfeats.shape[0], 128), dtype=jnp.float32)
    logit_bag = jnp.zeros((top_midfeats.shape[0], 2), dtype=jnp.float32)
    for s in range(top_midfeats.shape[1]):
        inp = top_midfeats[:, s, :]
        i = inp @ W1 + b1
        st = state @ W2 + b2
        state = jax.nn.relu(st + i)
        logit_bag = state @ W3 + b3
    return logit_bag

if __name__ == "__main__":
    import jax
    _d = setup_inputs()
    print(jax.jit(kernel)(*tuple(_d.values())))

</pallas_src>

<mosaic_0001>
#map = affine_map<(d0, d1) -> (0, 0)>
#map1 = affine_map<(d0, d1) -> (0)>
module attributes {stable_mosaic.version = 14 : i64} {
  func.func @gather_k(%arg0: i32, %arg1: i32, %arg2: memref<100000x512xf32, #tpu.memory_space<hbm>>, %arg3: memref<16xi32, #tpu.memory_space<hbm>>, %arg4: memref<16x512xf32, #tpu.memory_space<hbm>>, %arg5: memref<16xi32, #tpu.memory_space<vmem>>, %arg6: memref<16x512xf32, #tpu.memory_space<vmem>>, %arg7: memref<!tpu.dma_semaphore, #tpu.memory_space<semaphore_mem>>) attributes {dimension_semantics = [#tpu.dimension_semantics<core_parallel>, #tpu.dimension_semantics<subcore_parallel>], iteration_bounds = array<i64: 2, 16>, scalar_prefetch = 0 : i64, scratch_operands = 3 : i64, tpu.core_type = #tpu.core_type<sc_vector_subcore>, window_params = [{transform_indices = #map}, {transform_indices = #map1}, {transform_indices = #map}]} {
    %mul3A = arith.constant 2 : i32
    %mul3A_0 = arith.muli %arg1, %mul3A : i32
    %add3A = arith.addi %mul3A_0, %arg0 : i32
    %eq3A = arith.constant 0 : i32
    %eq3A_1 = arith.cmpi eq, %add3A, %eq3A : i32
    %convert_element_type3A = arith.extui %eq3A_1 : i1 to i32
    %cond3A = arith.constant 0 : i32
    %cond3A_2 = arith.cmpi ne, %convert_element_type3A, %cond3A : i32
    scf.if %cond3A_2 {
      "tpu.region"() ({
        %run_scoped3A = tpu.sem_alloc : memref<!tpu.dma_semaphore, #tpu.memory_space<semaphore_mem>>
        tpu.enqueue_dma source(%arg3 : memref<16xi32, #tpu.memory_space<hbm>>) target(%arg5 : memref<16xi32, #tpu.memory_space<vmem>>) target_semaphore(%run_scoped3A : memref<!tpu.dma_semaphore, #tpu.memory_space<semaphore_mem>>)
        tpu.wait_dma2 semaphore(%run_scoped3A : memref<!tpu.dma_semaphore, #tpu.memory_space<semaphore_mem>>) src(%arg3 : memref<16xi32, #tpu.memory_space<hbm>>) dst(%arg5 : memref<16xi32, #tpu.memory_space<vmem>>)
        tpu.yield
      }) : () -> ()
      %dma_start3A = arith.constant 0 : i32
      %dma_start3A_3 = arith.constant 0 : i32
      %dma_start3A_4 = tpu.memref_slice %arg2[%dma_start3A, %dma_start3A_3] : memref<100000x512xf32, #tpu.memory_space<hbm>> -> memref<100000x512xf32, #tpu.memory_space<hbm>>
      tpu.enqueue_indirect_dma source(%dma_start3A_4 : memref<100000x512xf32, #tpu.memory_space<hbm>>) target(%arg6 : memref<16x512xf32, #tpu.memory_space<vmem>>) offsets(%arg5 : memref<16xi32, #tpu.memory_space<vmem>>) semaphore(%arg7 : memref<!tpu.dma_semaphore, #tpu.memory_space<semaphore_mem>>)
      %dma_wait3A = arith.constant 0 : i32
      %dma_wait3A_5 = arith.constant 0 : i32
      %dma_wait3A_6 = tpu.memref_slice %arg2[%dma_wait3A, %dma_wait3A_5] : memref<100000x512xf32, #tpu.memory_space<hbm>> -> memref<100000x512xf32, #tpu.memory_space<hbm>>
      tpu.wait_indirect_dma semaphore(%arg7 : memref<!tpu.dma_semaphore, #tpu.memory_space<semaphore_mem>>) src(%dma_wait3A_6 : memref<100000x512xf32, #tpu.memory_space<hbm>>) dst(%arg6 : memref<16x512xf32, #tpu.memory_space<vmem>>)
      "tpu.region"() ({
        %run_scoped3A = tpu.sem_alloc : memref<!tpu.dma_semaphore, #tpu.memory_space<semaphore_mem>>
        tpu.enqueue_dma source(%arg6 : memref<16x512xf32, #tpu.memory_space<vmem>>) target(%arg4 : memref<16x512xf32, #tpu.memory_space<hbm>>) target_semaphore(%run_scoped3A : memref<!tpu.dma_semaphore, #tpu.memory_space<semaphore_mem>>)
        tpu.wait_dma2 semaphore(%run_scoped3A : memref<!tpu.dma_semaphore, #tpu.memory_space<semaphore_mem>>) src(%arg6 : memref<16x512xf32, #tpu.memory_space<vmem>>) dst(%arg4 : memref<16x512xf32, #tpu.memory_space<hbm>>)
        tpu.yield
      }) : () -> ()
    } else {
    }
    return
  }
}

module attributes {stable_mosaic.version = 14 : i64} {
  func.func @_rnn_body(%arg0: memref<16x512xf32, #tpu.memory_space<vmem>>, %arg1: memref<512x128xf32, #tpu.memory_space<vmem>>, %arg2: memref<1x128xf32, #tpu.memory_space<vmem>>, %arg3: memref<128x128xf32, #tpu.memory_space<vmem>>, %arg4: memref<1x128xf32, #tpu.memory_space<vmem>>, %arg5: memref<128x2xf32, #tpu.memory_space<vmem>>, %arg6: memref<1x2xf32, #tpu.memory_space<vmem>>, %arg7: memref<1x2xf32, #tpu.memory_space<vmem>>) attributes {dimension_semantics = [], scalar_prefetch = 0 : i64, scratch_operands = 0 : i64, tpu.core_type = #tpu.core_type<tc>} {
    %get3A = arith.constant 0 : index
    %get3A_0 = arith.constant 0 : index
    %get3A_1 = vector.load %arg0[%get3A, %get3A_0] : memref<16x512xf32, #tpu.memory_space<vmem>>, vector<16x512xf32>
    %get3A_2 = arith.constant 0 : index
    %get3A_3 = arith.constant 0 : index
    %get3A_4 = vector.load %arg1[%get3A_2, %get3A_3] : memref<512x128xf32, #tpu.memory_space<vmem>>, vector<512x128xf32>
    %dot_general3A = arith.constant dense<0.000000e+00> : vector<16x128xf32>
    %dot_general3A_5 = tpu.matmul %get3A_1, %get3A_4, %dot_general3A {dimension_numbers = #tpu.dot_dimension_numbers<[1], [0], [0], [1], [0, 0, 1, 1], [], []>, transpose_lhs_hint = false} : vector<16x512xf32>, vector<512x128xf32>, vector<16x128xf32> -> vector<16x128xf32>
    %get3A_6 = arith.constant 0 : index
    %get3A_7 = arith.constant 0 : index
    %get3A_8 = vector.load %arg2[%get3A_6, %get3A_7] : memref<1x128xf32, #tpu.memory_space<vmem>>, vector<1x128xf32>
    %add3A = vector.broadcast %get3A_8 : vector<1x128xf32> to vector<16x128xf32>
    %add3A_9 = arith.addf %dot_general3A_5, %add3A : vector<16x128xf32>
    %broadcast_in_dim3A = arith.constant 0.000000e+00 : f32
    %broadcast_in_dim3A_10 = vector.broadcast %broadcast_in_dim3A : f32 to vector<1x128xf32>
    %get3A_11 = arith.constant 0 : index
    %get3A_12 = arith.constant 0 : index
    %get3A_13 = vector.load %arg3[%get3A_11, %get3A_12] : memref<128x128xf32, #tpu.memory_space<vmem>>, vector<128x128xf32>
    %dot_general3A_14 = arith.constant dense<0.000000e+00> : vector<1x128xf32>
    %dot_general3A_15 = tpu.matmul %broadcast_in_dim3A_10, %get3A_13, %dot_general3A_14 {dimension_numbers = #tpu.dot_dimension_numbers<[1], [0], [0], [1], [0, 0, 1, 1], [], []>, transpose_lhs_hint = false} : vector<1x128xf32>, vector<128x128xf32>, vector<1x128xf32> -> vector<1x128xf32>
    %get3A_16 = arith.constant 0 : index
    %get3A_17 = arith.constant 0 : index
    %get3A_18 = vector.load %arg4[%get3A_16, %get3A_17] : memref<1x128xf32, #tpu.memory_space<vmem>>, vector<1x128xf32>
    %add3A_19 = arith.addf %dot_general3A_15, %get3A_18 : vector<1x128xf32>
    %slice3A = vector.extract_strided_slice %add3A_9 {offsets = [0, 0], sizes = [1, 128], strides = [1, 1]} : vector<16x128xf32> to vector<1x128xf32>
    %add3A_20 = arith.addf %add3A_19, %slice3A : vector<1x128xf32>
    %max3A = arith.constant 0.000000e+00 : f32
    %max3A_21 = vector.broadcast %max3A : f32 to vector<1x128xf32>
    %max3A_22 = arith.maximumf %add3A_20, %max3A_21 : vector<1x128xf32>
    %get3A_23 = arith.constant 0 : index
    %get3A_24 = arith.constant 0 : index
    %get3A_25 = vector.load %arg3[%get3A_23, %get3A_24] : memref<128x128xf32, #tpu.memory_space<vmem>>, vector<128x128xf32>
    %dot_general3A_26 = arith.constant dense<0.000000e+00> : vector<1x128xf32>
    %dot_general3A_27 = tpu.matmul %max3A_22, %get3A_25, %dot_general3A_26 {dimension_numbers = #tpu.dot_dimension_numbers<[1], [0], [0], [1], [0, 0, 1, 1], [], []>, transpose_lhs_hint = false} : vector<1x128xf32>, vector<128x128xf32>, vector<1x128xf32> -> vector<1x128xf32>
    %get3A_28 = arith.constant 0 : index
    %get3A_29 = arith.constant 0 : index
    %get3A_30 = vector.load %arg4[%get3A_28, %get3A_29] : memref<1x128xf32, #tpu.memory_space<vmem>>, vector<1x128xf32>
    %add3A_31 = arith.addf %dot_general3A_27, %get3A_30 : vector<1x128xf32>
    %slice3A_32 = vector.extract_strided_slice %add3A_9 {offsets = [1, 0], sizes = [1, 128], strides = [1, 1]} : vector<16x128xf32> to vector<1x128xf32>
    %add3A_33 = arith.addf %add3A_31, %slice3A_32 : vector<1x128xf32>
    %max3A_34 = arith.constant 0.000000e+00 : f32
    %max3A_35 = vector.broadcast %max3A_34 : f32 to vector<1x128xf32>
    %max3A_36 = arith.maximumf %add3A_33, %max3A_35 : vector<1x128xf32>
    %get3A_37 = arith.constant 0 : index
    %get3A_38 = arith.constant 0 : index
    %get3A_39 = vector.load %arg3[%get3A_37, %get3A_38] : memref<128x128xf32, #tpu.memory_space<vmem>>, vector<128x128xf32>
    %dot_general3A_40 = arith.constant dense<0.000000e+00> : vector<1x128xf32>
    %dot_general3A_41 = tpu.matmul %max3A_36, %get3A_39, %dot_general3A_40 {dimension_numbers = #tpu.dot_dimension_numbers<[1], [0], [0], [1], [0, 0, 1, 1], [], []>, transpose_lhs_hint = false} : vector<1x128xf32>, vector<128x128xf32>, vector<1x128xf32> -> vector<1x128xf32>
    %get3A_42 = arith.constant 0 : index
    %get3A_43 = arith.constant 0 : index
    %get3A_44 = vector.load %arg4[%get3A_42, %get3A_43] : memref<1x128xf32, #tpu.memory_space<vmem>>, vector<1x128xf32>
    %add3A_45 = arith.addf %dot_general3A_41, %get3A_44 : vector<1x128xf32>
    %slice3A_46 = vector.extract_strided_slice %add3A_9 {offsets = [2, 0], sizes = [1, 128], strides = [1, 1]} : vector<16x128xf32> to vector<1x128xf32>
    %add3A_47 = arith.addf %add3A_45, %slice3A_46 : vector<1x128xf32>
    %max3A_48 = arith.constant 0.000000e+00 : f32
    %max3A_49 = vector.broadcast %max3A_48 : f32 to vector<1x128xf32>
    %max3A_50 = arith.maximumf %add3A_47, %max3A_49 : vector<1x128xf32>
    %get3A_51 = arith.constant 0 : index
    %get3A_52 = arith.constant 0 : index
    %get3A_53 = vector.load %arg3[%get3A_51, %get3A_52] : memref<128x128xf32, #tpu.memory_space<vmem>>, vector<128x128xf32>
    %dot_general3A_54 = arith.constant dense<0.000000e+00> : vector<1x128xf32>
    %dot_general3A_55 = tpu.matmul %max3A_50, %get3A_53, %dot_general3A_54 {dimension_numbers = #tpu.dot_dimension_numbers<[1], [0], [0], [1], [0, 0, 1, 1], [], []>, transpose_lhs_hint = false} : vector<1x128xf32>, vector<128x128xf32>, vector<1x128xf32> -> vector<1x128xf32>
    %get3A_56 = arith.constant 0 : index
    %get3A_57 = arith.constant 0 : index
    %get3A_58 = vector.load %arg4[%get3A_56, %get3A_57] : memref<1x128xf32, #tpu.memory_space<vmem>>, vector<1x128xf32>
    %add3A_59 = arith.addf %dot_general3A_55, %get3A_58 : vector<1x128xf32>
    %slice3A_60 = vector.extract_strided_slice %add3A_9 {offsets = [3, 0], sizes = [1, 128], strides = [1, 1]} : vector<16x128xf32> to vector<1x128xf32>
    %add3A_61 = arith.addf %add3A_59, %slice3A_60 : vector<1x128xf32>
    %max3A_62 = arith.constant 0.000000e+00 : f32
    %max3A_63 = vector.broadcast %max3A_62 : f32 to vector<1x128xf32>
    %max3A_64 = arith.maximumf %add3A_61, %max3A_63 : vector<1x128xf32>
    %get3A_65 = arith.constant 0 : index
    %get3A_66 = arith.constant 0 : index
    %get3A_67 = vector.load %arg3[%get3A_65, %get3A_66] : memref<128x128xf32, #tpu.memory_space<vmem>>, vector<128x128xf32>
    %dot_general3A_68 = arith.constant dense<0.000000e+00> : vector<1x128xf32>
    %dot_general3A_69 = tpu.matmul %max3A_64, %get3A_67, %dot_general3A_68 {dimension_numbers = #tpu.dot_dimension_numbers<[1], [0], [0], [1], [0, 0, 1, 1], [], []>, transpose_lhs_hint = false} : vector<1x128xf32>, vector<128x128xf32>, vector<1x128xf32> -> vector<1x128xf32>
    %get3A_70 = arith.constant 0 : index
    %get3A_71 = arith.constant 0 : index
    %get3A_72 = vector.load %arg4[%get3A_70, %get3A_71] : memref<1x128xf32, #tpu.memory_space<vmem>>, vector<1x128xf32>
    %add3A_73 = arith.addf %dot_general3A_69, %get3A_72 : vector<1x128xf32>
    %slice3A_74 = vector.extract_strided_slice %add3A_9 {offsets = [4, 0], sizes = [1, 128], strides = [1, 1]} : vector<16x128xf32> to vector<1x128xf32>
    %add3A_75 = arith.addf %add3A_73, %slice3A_74 : vector<1x128xf32>
    %max3A_76 = arith.constant 0.000000e+00 : f32
    %max3A_77 = vector.broadcast %max3A_76 : f32 to vector<1x128xf32>
    %max3A_78 = arith.maximumf %add3A_75, %max3A_77 : vector<1x128xf32>
    %get3A_79 = arith.constant 0 : index
    %get3A_80 = arith.constant 0 : index
    %get3A_81 = vector.load %arg3[%get3A_79, %get3A_80] : memref<128x128xf32, #tpu.memory_space<vmem>>, vector<128x128xf32>
    %dot_general3A_82 = arith.constant dense<0.000000e+00> : vector<1x128xf32>
    %dot_general3A_83 = tpu.matmul %max3A_78, %get3A_81, %dot_general3A_82 {dimension_numbers = #tpu.dot_dimension_numbers<[1], [0], [0], [1], [0, 0, 1, 1], [], []>, transpose_lhs_hint = false} : vector<1x128xf32>, vector<128x128xf32>, vector<1x128xf32> -> vector<1x128xf32>
    %get3A_84 = arith.constant 0 : index
    %get3A_85 = arith.constant 0 : index
    %get3A_86 = vector.load %arg4[%get3A_84, %get3A_85] : memref<1x128xf32, #tpu.memory_space<vmem>>, vector<1x128xf32>
    %add3A_87 = arith.addf %dot_general3A_83, %get3A_86 : vector<1x128xf32>
    %slice3A_88 = vector.extract_strided_slice %add3A_9 {offsets = [5, 0], sizes = [1, 128], strides = [1, 1]} : vector<16x128xf32> to vector<1x128xf32>
    %add3A_89 = arith.addf %add3A_87, %slice3A_88 : vector<1x128xf32>
    %max3A_90 = arith.constant 0.000000e+00 : f32
    %max3A_91 = vector.broadcast %max3A_90 : f32 to vector<1x128xf32>
    %max3A_92 = arith.maximumf %add3A_89, %max3A_91 : vector<1x128xf32>
    %get3A_93 = arith.constant 0 : index
    %get3A_94 = arith.constant 0 : index
    %get3A_95 = vector.load %arg3[%get3A_93, %get3A_94] : memref<128x128xf32, #tpu.memory_space<vmem>>, vector<128x128xf32>
    %dot_general3A_96 = arith.constant dense<0.000000e+00> : vector<1x128xf32>
    %dot_general3A_97 = tpu.matmul %max3A_92, %get3A_95, %dot_general3A_96 {dimension_numbers = #tpu.dot_dimension_numbers<[1], [0], [0], [1], [0, 0, 1, 1], [], []>, transpose_lhs_hint = false} : vector<1x128xf32>, vector<128x128xf32>, vector<1x128xf32> -> vector<1x128xf32>
    %get3A_98 = arith.constant 0 : index
    %get3A_99 = arith.constant 0 : index
    %get3A_100 = vector.load %arg4[%get3A_98, %get3A_99] : memref<1x128xf32, #tpu.memory_space<vmem>>, vector<1x128xf32>
    %add3A_101 = arith.addf %dot_general3A_97, %get3A_100 : vector<1x128xf32>
    %slice3A_102 = vector.extract_strided_slice %add3A_9 {offsets = [6, 0], sizes = [1, 128], strides = [1, 1]} : vector<16x128xf32> to vector<1x128xf32>
    %add3A_103 = arith.addf %add3A_101, %slice3A_102 : vector<1x128xf32>
    %max3A_104 = arith.constant 0.000000e+00 : f32
    %max3A_105 = vector.broadcast %max3A_104 : f32 to vector<1x128xf32>
    %max3A_106 = arith.maximumf %add3A_103, %max3A_105 : vector<1x128xf32>
    %get3A_107 = arith.constant 0 : index
    %get3A_108 = arith.constant 0 : index
    %get3A_109 = vector.load %arg3[%get3A_107, %get3A_108] : memref<128x128xf32, #tpu.memory_space<vmem>>, vector<128x128xf32>
    %dot_general3A_110 = arith.constant dense<0.000000e+00> : vector<1x128xf32>
    %dot_general3A_111 = tpu.matmul %max3A_106, %get3A_109, %dot_general3A_110 {dimension_numbers = #tpu.dot_dimension_numbers<[1], [0], [0], [1], [0, 0, 1, 1], [], []>, transpose_lhs_hint = false} : vector<1x128xf32>, vector<128x128xf32>, vector<1x128xf32> -> vector<1x128xf32>
    %get3A_112 = arith.constant 0 : index
    %get3A_113 = arith.constant 0 : index
    %get3A_114 = vector.load %arg4[%get3A_112, %get3A_113] : memref<1x128xf32, #tpu.memory_space<vmem>>, vector<1x128xf32>
    %add3A_115 = arith.addf %dot_general3A_111, %get3A_114 : vector<1x128xf32>
    %slice3A_116 = vector.extract_strided_slice %add3A_9 {offsets = [7, 0], sizes = [1, 128], strides = [1, 1]} : vector<16x128xf32> to vector<1x128xf32>
    %add3A_117 = arith.addf %add3A_115, %slice3A_116 : vector<1x128xf32>
    %max3A_118 = arith.constant 0.000000e+00 : f32
    %max3A_119 = vector.broadcast %max3A_118 : f32 to vector<1x128xf32>
    %max3A_120 = arith.maximumf %add3A_117, %max3A_119 : vector<1x128xf32>
    %get3A_121 = arith.constant 0 : index
    %get3A_122 = arith.constant 0 : index
    %get3A_123 = vector.load %arg3[%get3A_121, %get3A_122] : memref<128x128xf32, #tpu.memory_space<vmem>>, vector<128x128xf32>
    %dot_general3A_124 = arith.constant dense<0.000000e+00> : vector<1x128xf32>
    %dot_general3A_125 = tpu.matmul %max3A_120, %get3A_123, %dot_general3A_124 {dimension_numbers = #tpu.dot_dimension_numbers<[1], [0], [0], [1], [0, 0, 1, 1], [], []>, transpose_lhs_hint = false} : vector<1x128xf32>, vector<128x128xf32>, vector<1x128xf32> -> vector<1x128xf32>
    %get3A_126 = arith.constant 0 : index
    %get3A_127 = arith.constant 0 : index
    %get3A_128 = vector.load %arg4[%get3A_126, %get3A_127] : memref<1x128xf32, #tpu.memory_space<vmem>>, vector<1x128xf32>
    %add3A_129 = arith.addf %dot_general3A_125, %get3A_128 : vector<1x128xf32>
    %slice3A_130 = vector.extract_strided_slice %add3A_9 {offsets = [8, 0], sizes = [1, 128], strides = [1, 1]} : vector<16x128xf32> to vector<1x128xf32>
    %add3A_131 = arith.addf %add3A_129, %slice3A_130 : vector<1x128xf32>
    %max3A_132 = arith.constant 0.000000e+00 : f32
    %max3A_133 = vector.broadcast %max3A_132 : f32 to vector<1x128xf32>
    %max3A_134 = arith.maximumf %add3A_131, %max3A_133 : vector<1x128xf32>
    %get3A_135 = arith.constant 0 : index
    %get3A_136 = arith.constant 0 : index
    %get3A_137 = vector.load %arg3[%get3A_135, %get3A_136] : memref<128x128xf32, #tpu.memory_space<vmem>>, vector<128x128xf32>
    %dot_general3A_138 = arith.constant dense<0.000000e+00> : vector<1x128xf32>
    %dot_general3A_139 = tpu.matmul %max3A_134, %get3A_137, %dot_general3A_138 {dimension_numbers = #tpu.dot_dimension_numbers<[1], [0], [0], [1], [0, 0, 1, 1], [], []>, transpose_lhs_hint = false} : vector<1x128xf32>, vector<128x128xf32>, vector<1x128xf32> -> vector<1x128xf32>
    %get3A_140 = arith.constant 0 : index
    %get3A_141 = arith.constant 0 : index
    %get3A_142 = vector.load %arg4[%get3A_140, %get3A_141] : memref<1x128xf32, #tpu.memory_space<vmem>>, vector<1x128xf32>
    %add3A_143 = arith.addf %dot_general3A_139, %get3A_142 : vector<1x128xf32>
    %slice3A_144 = vector.extract_strided_slice %add3A_9 {offsets = [9, 0], sizes = [1, 128], strides = [1, 1]} : vector<16x128xf32> to vector<1x128xf32>
    %add3A_145 = arith.addf %add3A_143, %slice3A_144 : vector<1x128xf32>
    %max3A_146 = arith.constant 0.000000e+00 : f32
    %max3A_147 = vector.broadcast %max3A_146 : f32 to vector<1x128xf32>
    %max3A_148 = arith.maximumf %add3A_145, %max3A_147 : vector<1x128xf32>
    %get3A_149 = arith.constant 0 : index
    %get3A_150 = arith.constant 0 : index
    %get3A_151 = vector.load %arg5[%get3A_149, %get3A_150] : memref<128x2xf32, #tpu.memory_space<vmem>>, vector<128x2xf32>
    %dot_general3A_152 = arith.constant dense<0.000000e+00> : vector<1x2xf32>
    %dot_general3A_153 = tpu.matmul %max3A_148, %get3A_151, %dot_general3A_152 {dimension_numbers = #tpu.dot_dimension_numbers<[1], [0], [0], [1], [0, 0, 1, 1], [], []>, transpose_lhs_hint = false} : vector<1x128xf32>, vector<128x2xf32>, vector<1x2xf32> -> vector<1x2xf32>
    %get3A_154 = arith.constant 0 : index
    %get3A_155 = arith.constant 0 : index
    %get3A_156 = vector.load %arg6[%get3A_154, %get3A_155] : memref<1x2xf32, #tpu.memory_space<vmem>>, vector<1x2xf32>
    %add3A_157 = arith.addf %dot_general3A_153, %get3A_156 : vector<1x2xf32>
    %swap3A = arith.constant 0 : index
    %swap3A_158 = arith.constant 0 : index
    %swap3A_159 = vector.load %arg7[%swap3A, %swap3A_158] : memref<1x2xf32, #tpu.memory_space<vmem>>, vector<1x2xf32>
    tpu.vector_store %arg7[%swap3A, %swap3A_158], %add3A_157 {strides = array<i32>} : memref<1x2xf32, #tpu.memory_space<vmem>>, vector<1x2xf32>,
    return
  }
}

module attributes {stable_mosaic.version = 14 : i64} {
  func.func @_score_select_body(%arg0: i32, %arg1: memref<4096x512xf32, #tpu.memory_space<vmem>>, %arg2: memref<512x1xf32, #tpu.memory_space<vmem>>, %arg3: memref<8x128xi32, #tpu.memory_space<vmem>>, %arg4: memref<25x32x128xf32, #tpu.memory_space<vmem>>, %arg5: memref<1x128xf32, #tpu.memory_space<vmem>>) attributes {dimension_semantics = [#tpu.dimension_semantics<arbitrary>], iteration_bounds = array<i64: 25>, scalar_prefetch = 0 : i64, scratch_operands = 2 : i64, tpu.core_type = #tpu.core_type<tc>, window_params = [{transform_indices = @transform_0, window_bounds = array<i64: 4096, 512>}, {pipeline_mode = #tpu.pipeline_mode<synchronous>, transform_indices = @transform_1, window_bounds = array<i64: 512, 1>}, {pipeline_mode = #tpu.pipeline_mode<synchronous>, transform_indices = @transform_2, window_bounds = array<i64: 8, 128>}]} {
    %get3A = arith.constant 0 : index
    %get3A_0 = arith.constant 0 : index
    %get3A_1 = vector.load %arg1[%get3A, %get3A_0] : memref<4096x512xf32, #tpu.memory_space<vmem>>, vector<4096x512xf32>
    %get3A_2 = arith.constant 0 : index
    %get3A_3 = arith.constant 0 : index
    %get3A_4 = vector.load %arg2[%get3A_2, %get3A_3] : memref<512x1xf32, #tpu.memory_space<vmem>>, vector<512x1xf32>
    %broadcast_in_dim3A = vector.shape_cast %get3A_4 : vector<512x1xf32> to vector<512x1xf32>
    %broadcast_in_dim3A_5 = vector.broadcast %broadcast_in_dim3A : vector<512x1xf32> to vector<512x128xf32>
    %dot_general3A = arith.constant dense<0.000000e+00> : vector<4096x128xf32>
    %dot_general3A_6 = tpu.matmul %get3A_1, %broadcast_in_dim3A_5, %dot_general3A {dimension_numbers = #tpu.dot_dimension_numbers<[1], [0], [0], [1], [0, 0, 1, 1], [], []>, transpose_lhs_hint = false} : vector<4096x512xf32>, vector<512x128xf32>, vector<4096x128xf32> -> vector<4096x128xf32>
    %reshape3A = vector.shape_cast %dot_general3A_6 : vector<4096x128xf32> to vector<32x128x128xf32>
    %iota3A = tpu.iota {dimensions = array<i32: 0>} : vector<128x128xi32>
    %iota3A_7 = tpu.iota {dimensions = array<i32: 1>} : vector<128x128xi32>
    %eq3A = arith.cmpi eq, %iota3A, %iota3A_7 : vector<128x128xi32>
    %broadcast_in_dim3A_8 = vector.shape_cast %eq3A : vector<128x128xi1> to vector<1x128x128xi1>
    %jit3A = arith.constant 0.000000e+00 : f32
    %broadcast_in_dim3A_9 = vector.shape_cast %broadcast_in_dim3A_8 : vector<1x128x128xi1> to vector<1x128x128xi1>
    %broadcast_in_dim3A_10 = vector.broadcast %broadcast_in_dim3A_9 : vector<1x128x128xi1> to vector<32x128x128xi1>
    %broadcast_in_dim3A_11 = vector.broadcast %jit3A : f32 to vector<32x128x128xf32>
    %select_n3A = arith.select %broadcast_in_dim3A_10, %reshape3A, %broadcast_in_dim3A_11 : vector<32x128x128xi1>, vector<32x128x128xf32>
    %reduce_sum3A = arith.constant dense<0.000000e+00> : vector<32x128xf32>
    %reduce_sum3A_12 = vector.multi_reduction <add>, %select_n3A, %reduce_sum3A [1] : vector<32x128x128xf32> to vector<32x128xf32>
    %iota3A_13 = tpu.iota {dimensions = array<i32: 0>} : vector<32x128xi32>
    %iota3A_14 = tpu.iota {dimensions = array<i32: 1>} : vector<32x128xi32>
    %mul3A = arith.constant 128 : i32
    %mul3A_15 = vector.broadcast %mul3A : i32 to vector<32x128xi32>
    %mul3A_16 = arith.muli %iota3A_13, %mul3A_15 : vector<32x128xi32>
    %add3A = arith.addi %mul3A_16, %iota3A_14 : vector<32x128xi32>
    %mul3A_17 = arith.constant 4096 : i32
    %mul3A_18 = arith.muli %arg0, %mul3A_17 : i32
    %add3A_19 = vector.broadcast %mul3A_18 : i32 to vector<32x128xi32>
    %add3A_20 = arith.addi %add3A_19, %add3A : vector<32x128xi32>
    %lt3A = arith.constant 100000 : i32
    %lt3A_21 = vector.broadcast %lt3A : i32 to vector<32x128xi32>
    %lt3A_22 = arith.cmpi slt, %add3A_20, %lt3A_21 : vector<32x128xi32>
    %jit3A_23 = arith.constant 0x7F800000 : f32
    %broadcast_in_dim3A_24 = vector.broadcast %jit3A_23 : f32 to vector<32x128xf32>
    %select_n3A_25 = arith.select %lt3A_22, %reduce_sum3A_12, %broadcast_in_dim3A_24 : vector<32x128xi1>, vector<32x128xf32>
    %swap3A = arith.index_cast %arg0 : i32 to index
    %swap3A_26 = arith.constant 0 : index
    %swap3A_27 = arith.constant 0 : index
    %swap3A_28 = vector.load %arg4[%swap3A, %swap3A_26, %swap3A_27] : memref<25x32x128xf32, #tpu.memory_space<vmem>>, vector<1x32x128xf32>
    %swap3A_29 = vector.shape_cast %swap3A_28 : vector<1x32x128xf32> to vector<32x128xf32>
    %swap3A_30 = vector.shape_cast %select_n3A_25 : vector<32x128xf32> to vector<1x32x128xf32>
    tpu.vector_store %arg4[%swap3A, %swap3A_26, %swap3A_27], %swap3A_30 {strides = array<i32>} : memref<25x32x128xf32, #tpu.memory_space<vmem>>, vector<1x32x128xf32>,
    %iota3A_31 = tpu.iota {dimensions = array<i32: 1>} : vector<1x128xi32>
    %eq3A_32 = arith.constant 0 : i32
    %eq3A_33 = arith.cmpi eq, %arg0, %eq3A_32 : i32
    %convert_element_type3A = arith.extui %eq3A_33 : i1 to i32
    %cond3A = arith.constant 0 : i32
    %cond3A_34 = arith.cmpi ne, %convert_element_type3A, %cond3A : i32
    scf.if %cond3A_34 {
      %broadcast_in_dim3A_54 = arith.constant 0x7F800000 : f32
      %broadcast_in_dim3A_55 = vector.broadcast %broadcast_in_dim3A_54 : f32 to vector<1x128xf32>
      %swap3A_56 = arith.constant 0 : index
      %swap3A_57 = arith.constant 0 : index
      %swap3A_58 = vector.load %arg5[%swap3A_56, %swap3A_57] : memref<1x128xf32, #tpu.memory_space<vmem>>, vector<1x128xf32>
      tpu.vector_store %arg5[%swap3A_56, %swap3A_57], %broadcast_in_dim3A_55 {strides = array<i32>} : memref<1x128xf32, #tpu.memory_space<vmem>>, vector<1x128xf32>,
    } else {
    }
    %eq3A_35 = vector.broadcast %arg0 : i32 to vector<1x128xi32>
    %eq3A_36 = arith.cmpi eq, %iota3A_31, %eq3A_35 : vector<1x128xi32>
    %reduce_min3A = vector.shape_cast %select_n3A_25 : vector<32x128xf32> to vector<1x32x128xf32>
    %reduce_min3A_37 = arith.constant dense<0x7F800000> : vector<1xf32>
    %reduce_min3A_38 = vector.multi_reduction <minimumf>, %reduce_min3A, %reduce_min3A_37 [1, 2] : vector<1x32x128xf32> to vector<1xf32>
    %reduce_min3A_39 = vector.shape_cast %reduce_min3A_38 : vector<1xf32> to vector<1x1x1xf32>
    %reduce_min3A_40 = vector.extract %reduce_min3A_39[0, 0, 0] : f32 from vector<1x1x1xf32>
    %get3A_41 = arith.constant 0 : index
    %get3A_42 = arith.constant 0 : index
    %get3A_43 = vector.load %arg5[%get3A_41, %get3A_42] : memref<1x128xf32, #tpu.memory_space<vmem>>, vector<1x128xf32>
    %broadcast_in_dim3A_44 = vector.broadcast %reduce_min3A_40 : f32 to vector<1x128xf32>
    %select_n3A_45 = arith.select %eq3A_36, %broadcast_in_dim3A_44, %get3A_43 : vector<1x128xi1>, vector<1x128xf32>
    %swap3A_46 = arith.constant 0 : index
    %swap3A_47 = arith.constant 0 : index
    %swap3A_48 = vector.load %arg5[%swap3A_46, %swap3A_47] : memref<1x128xf32, #tpu.memory_space<vmem>>, vector<1x128xf32>
    tpu.vector_store %arg5[%swap3A_46, %swap3A_47], %select_n3A_45 {strides = array<i32>} : memref<1x128xf32, #tpu.memory_space<vmem>>, vector<1x128xf32>,
    %eq3A_49 = arith.constant 24 : i32
    %eq3A_50 = arith.cmpi eq, %arg0, %eq3A_49 : i32
    %convert_element_type3A_51 = arith.extui %eq3A_50 : i1 to i32
    %cond3A_52 = arith.constant 0 : i32
    %cond3A_53 = arith.cmpi ne, %convert_element_type3A_51, %cond3A_52 : i32
    scf.if %cond3A_53 {
      %broadcast_in_dim3A_54 = arith.constant 0 : i32
      %broadcast_in_dim3A_55 = vector.broadcast %broadcast_in_dim3A_54 : i32 to vector<8x128xi32>
      %iota3A_56 = tpu.iota {dimensions = array<i32: 0>} : vector<8x128xi32>
      %iota3A_57 = tpu.iota {dimensions = array<i32: 1>} : vector<8x128xi32>
      %get3A_58 = arith.constant 0 : index
      %get3A_59 = arith.constant 0 : index
      %get3A_60 = vector.load %arg5[%get3A_58, %get3A_59] : memref<1x128xf32, #tpu.memory_space<vmem>>, vector<1x128xf32>
      %reduce_min3A_61 = vector.shape_cast %get3A_60 : vector<1x128xf32> to vector<1x1x128xf32>
      %reduce_min3A_62 = arith.constant dense<0x7F800000> : vector<1xf32>
      %reduce_min3A_63 = vector.multi_reduction <minimumf>, %reduce_min3A_61, %reduce_min3A_62 [1, 2] : vector<1x1x128xf32> to vector<1xf32>
      %reduce_min3A_64 = vector.shape_cast %reduce_min3A_63 : vector<1xf32> to vector<1x1x1xf32>
      %reduce_min3A_65 = vector.extract %reduce_min3A_64[0, 0, 0] : f32 from vector<1x1x1xf32>
      %eq3A_66 = vector.broadcast %reduce_min3A_65 : f32 to vector<1x128xf32>
      %eq3A_67 = arith.cmpf oeq, %get3A_60, %eq3A_66 : vector<1x128xf32>
      %jit3A_68 = arith.constant 1073741824 : i32
      %broadcast_in_dim3A_69 = vector.broadcast %jit3A_68 : i32 to vector<1x128xi32>
      %select_n3A_70 = arith.select %eq3A_67, %iota3A_31, %broadcast_in_dim3A_69 : vector<1x128xi1>, vector<1x128xi32>
      %reduce_min3A_71 = vector.shape_cast %select_n3A_70 : vector<1x128xi32> to vector<1x1x128xi32>
      %reduce_min3A_72 = arith.constant dense<2147483647> : vector<1xi32>
      %reduce_min3A_73 = vector.multi_reduction <minsi>, %reduce_min3A_71, %reduce_min3A_72 [1, 2] : vector<1x1x128xi32> to vector<1xi32>
      %reduce_min3A_74 = vector.shape_cast %reduce_min3A_73 : vector<1xi32> to vector<1x1x1xi32>
      %reduce_min3A_75 = vector.extract %reduce_min3A_74[0, 0, 0] : i32 from vector<1x1x1xi32>
      %get3A_76 = arith.index_cast %reduce_min3A_75 : i32 to index
      %get3A_77 = arith.constant 0 : index
      %get3A_78 = arith.constant 0 : index
      %get3A_79 = vector.load %arg4[%get3A_76, %get3A_77, %get3A_78] : memref<25x32x128xf32, #tpu.memory_space<vmem>>, vector<1x32x128xf32>
      %get3A_80 = vector.shape_cast %get3A_79 : vector<1x32x128xf32> to vector<32x128xf32>
      %mul3A_81 = arith.constant 4096 : i32
      %mul3A_82 = arith.muli %reduce_min3A_75, %mul3A_81 : i32
      %add3A_83 = vector.broadcast %mul3A_82 : i32 to vector<32x128xi32>
      %add3A_84 = arith.addi %add3A_83, %add3A : vector<32x128xi32>
      %eq3A_85 = vector.broadcast %reduce_min3A_65 : f32 to vector<32x128xf32>
      %eq3A_86 = arith.cmpf oeq, %get3A_80, %eq3A_85 : vector<32x128xf32>
      %jit3A_87 = arith.constant 1073741824 : i32
      %broadcast_in_dim3A_88 = vector.broadcast %jit3A_87 : i32 to vector<32x128xi32>
      %select_n3A_89 = arith.select %eq3A_86, %add3A_84, %broadcast_in_dim3A_88 : vector<32x128xi1>, vector<32x128xi32>
      %reduce_min3A_90 = vector.shape_cast %select_n3A_89 : vector<32x128xi32> to vector<1x32x128xi32>
      %reduce_min3A_91 = arith.constant dense<2147483647> : vector<1xi32>
      %reduce_min3A_92 = vector.multi_reduction <minsi>, %reduce_min3A_90, %reduce_min3A_91 [1, 2] : vector<1x32x128xi32> to vector<1xi32>
      %reduce_min3A_93 = vector.shape_cast %reduce_min3A_92 : vector<1xi32> to vector<1x1x1xi32>
      %reduce_min3A_94 = vector.extract %reduce_min3A_93[0, 0, 0] : i32 from vector<1x1x1xi32>
      %eq3A_95 = arith.constant 0 : i32
      %eq3A_96 = vector.broadcast %eq3A_95 : i32 to vector<8x128xi32>
      %eq3A_97 = arith.cmpi eq, %iota3A_56, %eq3A_96 : vector<8x128xi32>
      %eq3A_98 = arith.constant 0 : i32
      %eq3A_99 = vector.broadcast %eq3A_98 : i32 to vector<8x128xi32>
      %eq3A_100 = arith.cmpi eq, %iota3A_57, %eq3A_99 : vector<8x128xi32>
      %and3A = arith.andi %eq3A_97, %eq3A_100 : vector<8x128xi1>
      %broadcast_in_dim3A_101 = vector.broadcast %reduce_min3A_94 : i32 to vector<8x128xi32>
      %select_n3A_102 = arith.select %and3A, %broadcast_in_dim3A_101, %broadcast_in_dim3A_55 : vector<8x128xi1>, vector<8x128xi32>
      %eq3A_103 = vector.broadcast %reduce_min3A_94 : i32 to vector<32x128xi32>
      %eq3A_104 = arith.cmpi eq, %add3A_84, %eq3A_103 : vector<32x128xi32>
      %jit3A_105 = arith.constant 0x7F800000 : f32
      %broadcast_in_dim3A_106 = vector.broadcast %jit3A_105 : f32 to vector<32x128xf32>
      %select_n3A_107 = arith.select %eq3A_104, %broadcast_in_dim3A_106, %get3A_80 : vector<32x128xi1>, vector<32x128xf32>
      %swap3A_108 = arith.index_cast %reduce_min3A_75 : i32 to index
      %swap3A_109 = arith.constant 0 : index
      %swap3A_110 = arith.constant 0 : index
      %swap3A_111 = vector.load %arg4[%swap3A_108, %swap3A_109, %swap3A_110] : memref<25x32x128xf32, #tpu.memory_space<vmem>>, vector<1x32x128xf32>
      %swap3A_112 = vector.shape_cast %swap3A_111 : vector<1x32x128xf32> to vector<32x128xf32>
      %swap3A_113 = vector.shape_cast %select_n3A_107 : vector<32x128xf32> to vector<1x32x128xf32>
      tpu.vector_store %arg4[%swap3A_108, %swap3A_109, %swap3A_110], %swap3A_113 {strides = array<i32>} : memref<25x32x128xf32, #tpu.memory_space<vmem>>, vector<1x32x128xf32>,
      %eq3A_114 = vector.broadcast %reduce_min3A_75 : i32 to vector<1x128xi32>
      %eq3A_115 = arith.cmpi eq, %iota3A_31, %eq3A_114 : vector<1x128xi32>
      %reduce_min3A_116 = vector.shape_cast %select_n3A_107 : vector<32x128xf32> to vector<1x32x128xf32>
      %reduce_min3A_117 = arith.constant dense<0x7F800000> : vector<1xf32>
      %reduce_min3A_118 = vector.multi_reduction <minimumf>, %reduce_min3A_116, %reduce_min3A_117 [1, 2] : vector<1x32x128xf32> to vector<1xf32>
      %reduce_min3A_119 = vector.shape_cast %reduce_min3A_118 : vector<1xf32> to vector<1x1x1xf32>
      %reduce_min3A_120 = vector.extract %reduce_min3A_119[0, 0, 0] : f32 from vector<1x1x1xf32>
      %broadcast_in_dim3A_121 = vector.broadcast %reduce_min3A_120 : f32 to vector<1x128xf32>
      %select_n3A_122 = arith.select %eq3A_115, %broadcast_in_dim3A_121, %get3A_60 : vector<1x128xi1>, vector<1x128xf32>
      %swap3A_123 = arith.constant 0 : index
      %swap3A_124 = arith.constant 0 : index
      %swap3A_125 = vector.load %arg5[%swap3A_123, %swap3A_124] : memref<1x128xf32, #tpu.memory_space<vmem>>, vector<1x128xf32>
      tpu.vector_store %arg5[%swap3A_123, %swap3A_124], %select_n3A_122 {strides = array<i32>} : memref<1x128xf32, #tpu.memory_space<vmem>>, vector<1x128xf32>,
      %get3A_126 = arith.constant 0 : index
      %get3A_127 = arith.constant 0 : index
      %get3A_128 = vector.load %arg5[%get3A_126, %get3A_127] : memref<1x128xf32, #tpu.memory_space<vmem>>, vector<1x128xf32>
      %reduce_min3A_129 = vector.shape_cast %get3A_128 : vector<1x128xf32> to vector<1x1x128xf32>
      %reduce_min3A_130 = arith.constant dense<0x7F800000> : vector<1xf32>
      %reduce_min3A_131 = vector.multi_reduction <minimumf>, %reduce_min3A_129, %reduce_min3A_130 [1, 2] : vector<1x1x128xf32> to vector<1xf32>
      %reduce_min3A_132 = vector.shape_cast %reduce_min3A_131 : vector<1xf32> to vector<1x1x1xf32>
      %reduce_min3A_133 = vector.extract %reduce_min3A_132[0, 0, 0] : f32 from vector<1x1x1xf32>
      %eq3A_134 = vector.broadcast %reduce_min3A_133 : f32 to vector<1x128xf32>
      %eq3A_135 = arith.cmpf oeq, %get3A_128, %eq3A_134 : vector<1x128xf32>
      %jit3A_136 = arith.constant 1073741824 : i32
      %broadcast_in_dim3A_137 = vector.broadcast %jit3A_136 : i32 to vector<1x128xi32>
      %select_n3A_138 = arith.select %eq3A_135, %iota3A_31, %broadcast_in_dim3A_137 : vector<1x128xi1>, vector<1x128xi32>
      %reduce_min3A_139 = vector.shape_cast %select_n3A_138 : vector<1x128xi32> to vector<1x1x128xi32>
      %reduce_min3A_140 = arith.constant dense<2147483647> : vector<1xi32>
      %reduce_min3A_141 = vector.multi_reduction <minsi>, %reduce_min3A_139, %reduce_min3A_140 [1, 2] : vector<1x1x128xi32> to vector<1xi32>
      %reduce_min3A_142 = vector.shape_cast %reduce_min3A_141 : vector<1xi32> to vector<1x1x1xi32>
      %reduce_min3A_143 = vector.extract %reduce_min3A_142[0, 0, 0] : i32 from vector<1x1x1xi32>
      %get3A_144 = arith.index_cast %reduce_min3A_143 : i32 to index
      %get3A_145 = arith.constant 0 : index
      %get3A_146 = arith.constant 0 : index
      %get3A_147 = vector.load %arg4[%get3A_144, %get3A_145, %get3A_146] : memref<25x32x128xf32, #tpu.memory_space<vmem>>, vector<1x32x128xf32>
      %get3A_148 = vector.shape_cast %get3A_147 : vector<1x32x128xf32> to vector<32x128xf32>
      %mul3A_149 = arith.constant 4096 : i32
      %mul3A_150 = arith.muli %reduce_min3A_143, %mul3A_149 : i32
      %add3A_151 = vector.broadcast %mul3A_150 : i32 to vector<32x128xi32>
      %add3A_152 = arith.addi %add3A_151, %add3A : vector<32x128xi32>
      %eq3A_153 = vector.broadcast %reduce_min3A_133 : f32 to vector<32x128xf32>
      %eq3A_154 = arith.cmpf oeq, %get3A_148, %eq3A_153 : vector<32x128xf32>
      %jit3A_155 = arith.constant 1073741824 : i32
      %broadcast_in_dim3A_156 = vector.broadcast %jit3A_155 : i32 to vector<32x128xi32>
      %select_n3A_157 = arith.select %eq3A_154, %add3A_152, %broadcast_in_dim3A_156 : vector<32x128xi1>, vector<32x128xi32>
      %reduce_min3A_158 = vector.shape_cast %select_n3A_157 : vector<32x128xi32> to vector<1x32x128xi32>
      %reduce_min3A_159 = arith.constant dense<2147483647> : vector<1xi32>
      %reduce_min3A_160 = vector.multi_reduction <minsi>, %reduce_min3A_158, %reduce_min3A_159 [1, 2] : vector<1x32x128xi32> to vector<1xi32>
      %reduce_min3A_161 = vector.shape_cast %reduce_min3A_160 : vector<1xi32> to vector<1x1x1xi32>
      %reduce_min3A_162 = vector.extract %reduce_min3A_161[0, 0, 0] : i32 from vector<1x1x1xi32>
      %eq3A_163 = arith.constant 0 : i32
      %eq3A_164 = vector.broadcast %eq3A_163 : i32 to vector<8x128xi32>
      %eq3A_165 = arith.cmpi eq, %iota3A_56, %eq3A_164 : vector<8x128xi32>
      %eq3A_166 = arith.constant 1 : i32
      %eq3A_167 = vector.broadcast %eq3A_166 : i32 to vector<8x128xi32>
      %eq3A_168 = arith.cmpi eq, %iota3A_57, %eq3A_167 : vector<8x128xi32>
      %and3A_169 = arith.andi %eq3A_165, %eq3A_168 : vector<8x128xi1>
      %broadcast_in_dim3A_170 = vector.broadcast %reduce_min3A_162 : i32 to vector<8x128xi32>
      %select_n3A_171 = arith.select %and3A_169, %broadcast_in_dim3A_170, %select_n3A_102 : vector<8x128xi1>, vector<8x128xi32>
      %eq3A_172 = vector.broadcast %reduce_min3A_162 : i32 to vector<32x128xi32>
      %eq3A_173 = arith.cmpi eq, %add3A_152, %eq3A_172 : vector<32x128xi32>
      %jit3A_174 = arith.constant 0x7F800000 : f32
      %broadcast_in_dim3A_175 = vector.broadcast %jit3A_174 : f32 to vector<32x128xf32>
      %select_n3A_176 = arith.select %eq3A_173, %broadcast_in_dim3A_175, %get3A_148 : vector<32x128xi1>, vector<32x128xf32>
      %swap3A_177 = arith.index_cast %reduce_min3A_143 : i32 to index
      %swap3A_178 = arith.constant 0 : index
      %swap3A_179 = arith.constant 0 : index
      %swap3A_180 = vector.load %arg4[%swap3A_177, %swap3A_178, %swap3A_179] : memref<25x32x128xf32, #tpu.memory_space<vmem>>, vector<1x32x128xf32>
      %swap3A_181 = vector.shape_cast %swap3A_180 : vector<1x32x128xf32> to vector<32x128xf32>
      %swap3A_182 = vector.shape_cast %select_n3A_176 : vector<32x128xf32> to vector<1x32x128xf32>
      tpu.vector_store %arg4[%swap3A_177, %swap3A_178, %swap3A_179], %swap3A_182 {strides = array<i32>} : memref<25x32x128xf32, #tpu.memory_space<vmem>>, vector<1x32x128xf32>,
      %eq3A_183 = vector.broadcast %reduce_min3A_143 : i32 to vector<1x128xi32>
      %eq3A_184 = arith.cmpi eq, %iota3A_31, %eq3A_183 : vector<1x128xi32>
      %reduce_min3A_185 = vector.shape_cast %select_n3A_176 : vector<32x128xf32> to vector<1x32x128xf32>
      %reduce_min3A_186 = arith.constant dense<0x7F800000> : vector<1xf32>
      %reduce_min3A_187 = vector.multi_reduction <minimumf>, %reduce_min3A_185, %reduce_min3A_186 [1, 2] : vector<1x32x128xf32> to vector<1xf32>
      %reduce_min3A_188 = vector.shape_cast %reduce_min3A_187 : vector<1xf32> to vector<1x1x1xf32>
      %reduce_min3A_189 = vector.extract %reduce_min3A_188[0, 0, 0] : f32 from vector<1x1x1xf32>
      %broadcast_in_dim3A_190 = vector.broadcast %reduce_min3A_189 : f32 to vector<1x128xf32>
      %select_n3A_191 = arith.select %eq3A_184, %broadcast_in_dim3A_190, %get3A_128 : vector<1x128xi1>, vector<1x128xf32>
      %swap3A_192 = arith.constant 0 : index
      %swap3A_193 = arith.constant 0 : index
      %swap3A_194 = vector.load %arg5[%swap3A_192, %swap3A_193] : memref<1x128xf32, #tpu.memory_space<vmem>>, vector<1x128xf32>
      tpu.vector_store %arg5[%swap3A_192, %swap3A_193], %select_n3A_191 {strides = array<i32>} : memref<1x128xf32, #tpu.memory_space<vmem>>, vector<1x128xf32>,
      %get3A_195 = arith.constant 0 : index
      %get3A_196 = arith.constant 0 : index
      %get3A_197 = vector.load %arg5[%get3A_195, %get3A_196] : memref<1x128xf32, #tpu.memory_space<vmem>>, vector<1x128xf32>
      %reduce_min3A_198 = vector.shape_cast %get3A_197 : vector<1x128xf32> to vector<1x1x128xf32>
      %reduce_min3A_199 = arith.constant dense<0x7F800000> : vector<1xf32>
      %reduce_min3A_200 = vector.multi_reduction <minimumf>, %reduce_min3A_198, %reduce_min3A_199 [1, 2] : vector<1x1x128xf32> to vector<1xf32>
      %reduce_min3A_201 = vector.shape_cast %reduce_min3A_200 : vector<1xf32> to vector<1x1x1xf32>
      %reduce_min3A_202 = vector.extract %reduce_min3A_201[0, 0, 0] : f32 from vector<1x1x1xf32>
      %eq3A_203 = vector.broadcast %reduce_min3A_202 : f32 to vector<1x128xf32>
      %eq3A_204 = arith.cmpf oeq, %get3A_197, %eq3A_203 : vector<1x128xf32>
      %jit3A_205 = arith.constant 1073741824 : i32
      %broadcast_in_dim3A_206 = vector.broadcast %jit3A_205 : i32 to vector<1x128xi32>
      %select_n3A_207 = arith.select %eq3A_204, %iota3A_31, %broadcast_in_dim3A_206 : vector<1x128xi1>, vector<1x128xi32>
      %reduce_min3A_208 = vector.shape_cast %select_n3A_207 : vector<1x128xi32> to vector<1x1x128xi32>
      %reduce_min3A_209 = arith.constant dense<2147483647> : vector<1xi32>
      %reduce_min3A_210 = vector.multi_reduction <minsi>, %reduce_min3A_208, %reduce_min3A_209 [1, 2] : vector<1x1x128xi32> to vector<1xi32>
      %reduce_min3A_211 = vector.shape_cast %reduce_min3A_210 : vector<1xi32> to vector<1x1x1xi32>
      %reduce_min3A_212 = vector.extract %reduce_min3A_211[0, 0, 0] : i32 from vector<1x1x1xi32>
      %get3A_213 = arith.index_cast %reduce_min3A_212 : i32 to index
      %get3A_214 = arith.constant 0 : index
      %get3A_215 = arith.constant 0 : index
      %get3A_216 = vector.load %arg4[%get3A_213, %get3A_214, %get3A_215] : memref<25x32x128xf32, #tpu.memory_space<vmem>>, vector<1x32x128xf32>
      %get3A_217 = vector.shape_cast %get3A_216 : vector<1x32x128xf32> to vector<32x128xf32>
      %mul3A_218 = arith.constant 4096 : i32
      %mul3A_219 = arith.muli %reduce_min3A_212, %mul3A_218 : i32
      %add3A_220 = vector.broadcast %mul3A_219 : i32 to vector<32x128xi32>
      %add3A_221 = arith.addi %add3A_220, %add3A : vector<32x128xi32>
      %eq3A_222 = vector.broadcast %reduce_min3A_202 : f32 to vector<32x128xf32>
      %eq3A_223 = arith.cmpf oeq, %get3A_217, %eq3A_222 : vector<32x128xf32>
      %jit3A_224 = arith.constant 1073741824 : i32
      %broadcast_in_dim3A_225 = vector.broadcast %jit3A_224 : i32 to vector<32x128xi32>
      %select_n3A_226 = arith.select %eq3A_223, %add3A_221, %broadcast_in_dim3A_225 : vector<32x128xi1>, vector<32x128xi32>
      %reduce_min3A_227 = vector.shape_cast %select_n3A_226 : vector<32x128xi32> to vector<1x32x128xi32>
      %reduce_min3A_228 = arith.constant dense<2147483647> : vector<1xi32>
      %reduce_min3A_229 = vector.multi_reduction <minsi>, %reduce_min3A_227, %reduce_min3A_228 [1, 2] : vector<1x32x128xi32> to vector<1xi32>
      %reduce_min3A_230 = vector.shape_cast %reduce_min3A_229 : vector<1xi32> to vector<1x1x1xi32>
      %reduce_min3A_231 = vector.extract %reduce_min3A_230[0, 0, 0] : i32 from vector<1x1x1xi32>
      %eq3A_232 = arith.constant 0 : i32
      %eq3A_233 = vector.broadcast %eq3A_232 : i32 to vector<8x128xi32>
      %eq3A_234 = arith.cmpi eq, %iota3A_56, %eq3A_233 : vector<8x128xi32>
      %eq3A_235 = arith.constant 2 : i32
      %eq3A_236 = vector.broadcast %eq3A_235 : i32 to vector<8x128xi32>
      %eq3A_237 = arith.cmpi eq, %iota3A_57, %eq3A_236 : vector<8x128xi32>
      %and3A_238 = arith.andi %eq3A_234, %eq3A_237 : vector<8x128xi1>
      %broadcast_in_dim3A_239 = vector.broadcast %reduce_min3A_231 : i32 to vector<8x128xi32>
      %select_n3A_240 = arith.select %and3A_238, %broadcast_in_dim3A_239, %select_n3A_171 : vector<8x128xi1>, vector<8x128xi32>
      %eq3A_241 = vector.broadcast %reduce_min3A_231 : i32 to vector<32x128xi32>
      %eq3A_242 = arith.cmpi eq, %add3A_221, %eq3A_241 : vector<32x128xi32>
      %jit3A_243 = arith.constant 0x7F800000 : f32
      %broadcast_in_dim3A_244 = vector.broadcast %jit3A_243 : f32 to vector<32x128xf32>
      %select_n3A_245 = arith.select %eq3A_242, %broadcast_in_dim3A_244, %get3A_217 : vector<32x128xi1>, vector<32x128xf32>
      %swap3A_246 = arith.index_cast %reduce_min3A_212 : i32 to index
      %swap3A_247 = arith.constant 0 : index
      %swap3A_248 = arith.constant 0 : index
      %swap3A_249 = vector.load %arg4[%swap3A_246, %swap3A_247, %swap3A_248] : memref<25x32x128xf32, #tpu.memory_space<vmem>>, vector<1x32x128xf32>
      %swap3A_250 = vector.shape_cast %swap3A_249 : vector<1x32x128xf32> to vector<32x128xf32>
      %swap3A_251 = vector.shape_cast %select_n3A_245 : vector<32x128xf32> to vector<1x32x128xf32>
      tpu.vector_store %arg4[%swap3A_246, %swap3A_247, %swap3A_248], %swap3A_251 {strides = array<i32>} : memref<25x32x128xf32, #tpu.memory_space<vmem>>, vector<1x32x128xf32>,
      %eq3A_252 = vector.broadcast %reduce_min3A_212 : i32 to vector<1x128xi32>
      %eq3A_253 = arith.cmpi eq, %iota3A_31, %eq3A_252 : vector<1x128xi32>
      %reduce_min3A_254 = vector.shape_cast %select_n3A_245 : vector<32x128xf32> to vector<1x32x128xf32>
      %reduce_min3A_255 = arith.constant dense<0x7F800000> : vector<1xf32>
      %reduce_min3A_256 = vector.multi_reduction <minimumf>, %reduce_min3A_254, %reduce_min3A_255 [1, 2] : vector<1x32x128xf32> to vector<1xf32>
      %reduce_min3A_257 = vector.shape_cast %reduce_min3A_256 : vector<1xf32> to vector<1x1x1xf32>
      %reduce_min3A_258 = vector.extract %reduce_min3A_257[0, 0, 0] : f32 from vector<1x1x1xf32>
      %broadcast_in_dim3A_259 = vector.broadcast %reduce_min3A_258 : f32 to vector<1x128xf32>
      %select_n3A_260 = arith.select %eq3A_253, %broadcast_in_dim3A_259, %get3A_197 : vector<1x128xi1>, vector<1x128xf32>
      %swap3A_261 = arith.constant 0 : index
      %swap3A_262 = arith.constant 0 : index
      %swap3A_263 = vector.load %arg5[%swap3A_261, %swap3A_262] : memref<1x128xf32, #tpu.memory_space<vmem>>, vector<1x128xf32>
      tpu.vector_store %arg5[%swap3A_261, %swap3A_262], %select_n3A_260 {strides = array<i32>} : memref<1x128xf32, #tpu.memory_space<vmem>>, vector<1x128xf32>,
      %get3A_264 = arith.constant 0 : index
      %get3A_265 = arith.constant 0 : index
      %get3A_266 = vector.load %arg5[%get3A_264, %get3A_265] : memref<1x128xf32, #tpu.memory_space<vmem>>, vector<1x128xf32>
      %reduce_min3A_267 = vector.shape_cast %get3A_266 : vector<1x128xf32> to vector<1x1x128xf32>
      %reduce_min3A_268 = arith.constant dense<0x7F800000> : vector<1xf32>
      %reduce_min3A_269 = vector.multi_reduction <minimumf>, %reduce_min3A_267, %reduce_min3A_268 [1, 2] : vector<1x1x128xf32> to vector<1xf32>
      %reduce_min3A_270 = vector.shape_cast %reduce_min3A_269 : vector<1xf32> to vector<1x1x1xf32>
      %reduce_min3A_271 = vector.extract %reduce_min3A_270[0, 0, 0] : f32 from vector<1x1x1xf32>
      %eq3A_272 = vector.broadcast %reduce_min3A_271 : f32 to vector<1x128xf32>
      %eq3A_273 = arith.cmpf oeq, %get3A_266, %eq3A_272 : vector<1x128xf32>
      %jit3A_274 = arith.constant 1073741824 : i32
      %broadcast_in_dim3A_275 = vector.broadcast %jit3A_274 : i32 to vector<1x128xi32>
      %select_n3A_276 = arith.select %eq3A_273, %iota3A_31, %broadcast_in_dim3A_275 : vector<1x128xi1>, vector<1x128xi32>
      %reduce_min3A_277 = vector.shape_cast %select_n3A_276 : vector<1x128xi32> to vector<1x1x128xi32>
      %reduce_min3A_278 = arith.constant dense<2147483647> : vector<1xi32>
      %reduce_min3A_279 = vector.multi_reduction <minsi>, %reduce_min3A_277, %reduce_min3A_278 [1, 2] : vector<1x1x128xi32> to vector<1xi32>
      %reduce_min3A_280 = vector.shape_cast %reduce_min3A_279 : vector<1xi32> to vector<1x1x1xi32>
      %reduce_min3A_281 = vector.extract %reduce_min3A_280[0, 0, 0] : i32 from vector<1x1x1xi32>
      %get3A_282 = arith.index_cast %reduce_min3A_281 : i32 to index
      %get3A_283 = arith.constant 0 : index
      %get3A_284 = arith.constant 0 : index
      %get3A_285 = vector.load %arg4[%get3A_282, %get3A_283, %get3A_284] : memref<25x32x128xf32, #tpu.memory_space<vmem>>, vector<1x32x128xf32>
      %get3A_286 = vector.shape_cast %get3A_285 : vector<1x32x128xf32> to vector<32x128xf32>
      %mul3A_287 = arith.constant 4096 : i32
      %mul3A_288 = arith.muli %reduce_min3A_281, %mul3A_287 : i32
      %add3A_289 = vector.broadcast %mul3A_288 : i32 to vector<32x128xi32>
      %add3A_290 = arith.addi %add3A_289, %add3A : vector<32x128xi32>
      %eq3A_291 = vector.broadcast %reduce_min3A_271 : f32 to vector<32x128xf32>
      %eq3A_292 = arith.cmpf oeq, %get3A_286, %eq3A_291 : vector<32x128xf32>
      %jit3A_293 = arith.constant 1073741824 : i32
      %broadcast_in_dim3A_294 = vector.broadcast %jit3A_293 : i32 to vector<32x128xi32>
      %select_n3A_295 = arith.select %eq3A_292, %add3A_290, %broadcast_in_dim3A_294 : vector<32x128xi1>, vector<32x128xi32>
      %reduce_min3A_296 = vector.shape_cast %select_n3A_295 : vector<32x128xi32> to vector<1x32x128xi32>
      %reduce_min3A_297 = arith.constant dense<2147483647> : vector<1xi32>
      %reduce_min3A_298 = vector.multi_reduction <minsi>, %reduce_min3A_296, %reduce_min3A_297 [1, 2] : vector<1x32x128xi32> to vector<1xi32>
      %reduce_min3A_299 = vector.shape_cast %reduce_min3A_298 : vector<1xi32> to vector<1x1x1xi32>
      %reduce_min3A_300 = vector.extract %reduce_min3A_299[0, 0, 0] : i32 from vector<1x1x1xi32>
      %eq3A_301 = arith.constant 0 : i32
      %eq3A_302 = vector.broadcast %eq3A_301 : i32 to vector<8x128xi32>
      %eq3A_303 = arith.cmpi eq, %iota3A_56, %eq3A_302 : vector<8x128xi32>
      %eq3A_304 = arith.constant 3 : i32
      %eq3A_305 = vector.broadcast %eq3A_304 : i32 to vector<8x128xi32>
      %eq3A_306 = arith.cmpi eq, %iota3A_57, %eq3A_305 : vector<8x128xi32>
      %and3A_307 = arith.andi %eq3A_303, %eq3A_306 : vector<8x128xi1>
      %broadcast_in_dim3A_308 = vector.broadcast %reduce_min3A_300 : i32 to vector<8x128xi32>
      %select_n3A_309 = arith.select %and3A_307, %broadcast_in_dim3A_308, %select_n3A_240 : vector<8x128xi1>, vector<8x128xi32>
      %eq3A_310 = vector.broadcast %reduce_min3A_300 : i32 to vector<32x128xi32>
      %eq3A_311 = arith.cmpi eq, %add3A_290, %eq3A_310 : vector<32x128xi32>
      %jit3A_312 = arith.constant 0x7F800000 : f32
      %broadcast_in_dim3A_313 = vector.broadcast %jit3A_312 : f32 to vector<32x128xf32>
      %select_n3A_314 = arith.select %eq3A_311, %broadcast_in_dim3A_313, %get3A_286 : vector<32x128xi1>, vector<32x128xf32>
      %swap3A_315 = arith.index_cast %reduce_min3A_281 : i32 to index
      %swap3A_316 = arith.constant 0 : index
      %swap3A_317 = arith.constant 0 : index
      %swap3A_318 = vector.load %arg4[%swap3A_315, %swap3A_316, %swap3A_317] : memref<25x32x128xf32, #tpu.memory_space<vmem>>, vector<1x32x128xf32>
      %swap3A_319 = vector.shape_cast %swap3A_318 : vector<1x32x128xf32> to vector<32x128xf32>
      %swap3A_320 = vector.shape_cast %select_n3A_314 : vector<32x128xf32> to vector<1x32x128xf32>
      tpu.vector_store %arg4[%swap3A_315, %swap3A_316, %swap3A_317], %swap3A_320 {strides = array<i32>} : memref<25x32x128xf32, #tpu.memory_space<vmem>>, vector<1x32x128xf32>,
      %eq3A_321 = vector.broadcast %reduce_min3A_281 : i32 to vector<1x128xi32>
      %eq3A_322 = arith.cmpi eq, %iota3A_31, %eq3A_321 : vector<1x128xi32>
      %reduce_min3A_323 = vector.shape_cast %select_n3A_314 : vector<32x128xf32> to vector<1x32x128xf32>
      %reduce_min3A_324 = arith.constant dense<0x7F800000> : vector<1xf32>
      %reduce_min3A_325 = vector.multi_reduction <minimumf>, %reduce_min3A_323, %reduce_min3A_324 [1, 2] : vector<1x32x128xf32> to vector<1xf32>
      %reduce_min3A_326 = vector.shape_cast %reduce_min3A_325 : vector<1xf32> to vector<1x1x1xf32>
      %reduce_min3A_327 = vector.extract %reduce_min3A_326[0, 0, 0] : f32 from vector<1x1x1xf32>
      %broadcast_in_dim3A_328 = vector.broadcast %reduce_min3A_327 : f32 to vector<1x128xf32>
      %select_n3A_329 = arith.select %eq3A_322, %broadcast_in_dim3A_328, %get3A_266 : vector<1x128xi1>, vector<1x128xf32>
      %swap3A_330 = arith.constant 0 : index
      %swap3A_331 = arith.constant 0 : index
      %swap3A_332 = vector.load %arg5[%swap3A_330, %swap3A_331] : memref<1x128xf32, #tpu.memory_space<vmem>>, vector<1x128xf32>
      tpu.vector_store %arg5[%swap3A_330, %swap3A_331], %select_n3A_329 {strides = array<i32>} : memref<1x128xf32, #tpu.memory_space<vmem>>, vector<1x128xf32>,
      %get3A_333 = arith.constant 0 : index
      %get3A_334 = arith.constant 0 : index
      %get3A_335 = vector.load %arg5[%get3A_333, %get3A_334] : memref<1x128xf32, #tpu.memory_space<vmem>>, vector<1x128xf32>
      %reduce_min3A_336 = vector.shape_cast %get3A_335 : vector<1x128xf32> to vector<1x1x128xf32>
      %reduce_min3A_337 = arith.constant dense<0x7F800000> : vector<1xf32>
      %reduce_min3A_338 = vector.multi_reduction <minimumf>, %reduce_min3A_336, %reduce_min3A_337 [1, 2] : vector<1x1x128xf32> to vector<1xf32>
      %reduce_min3A_339 = vector.shape_cast %reduce_min3A_338 : vector<1xf32> to vector<1x1x1xf32>
      %reduce_min3A_340 = vector.extract %reduce_min3A_339[0, 0, 0] : f32 from vector<1x1x1xf32>
      %eq3A_341 = vector.broadcast %reduce_min3A_340 : f32 to vector<1x128xf32>
      %eq3A_342 = arith.cmpf oeq, %get3A_335, %eq3A_341 : vector<1x128xf32>
      %jit3A_343 = arith.constant 1073741824 : i32
      %broadcast_in_dim3A_344 = vector.broadcast %jit3A_343 : i32 to vector<1x128xi32>
      %select_n3A_345 = arith.select %eq3A_342, %iota3A_31, %broadcast_in_dim3A_344 : vector<1x128xi1>, vector<1x128xi32>
      %reduce_min3A_346 = vector.shape_cast %select_n3A_345 : vector<1x128xi32> to vector<1x1x128xi32>
      %reduce_min3A_347 = arith.constant dense<2147483647> : vector<1xi32>
      %reduce_min3A_348 = vector.multi_reduction <minsi>, %reduce_min3A_346, %reduce_min3A_347 [1, 2] : vector<1x1x128xi32> to vector<1xi32>
      %reduce_min3A_349 = vector.shape_cast %reduce_min3A_348 : vector<1xi32> to vector<1x1x1xi32>
      %reduce_min3A_350 = vector.extract %reduce_min3A_349[0, 0, 0] : i32 from vector<1x1x1xi32>
      %get3A_351 = arith.index_cast %reduce_min3A_350 : i32 to index
      %get3A_352 = arith.constant 0 : index
      %get3A_353 = arith.constant 0 : index
      %get3A_354 = vector.load %arg4[%get3A_351, %get3A_352, %get3A_353] : memref<25x32x128xf32, #tpu.memory_space<vmem>>, vector<1x32x128xf32>
      %get3A_355 = vector.shape_cast %get3A_354 : vector<1x32x128xf32> to vector<32x128xf32>
      %mul3A_356 = arith.constant 4096 : i32
      %mul3A_357 = arith.muli %reduce_min3A_350, %mul3A_356 : i32
      %add3A_358 = vector.broadcast %mul3A_357 : i32 to vector<32x128xi32>
      %add3A_359 = arith.addi %add3A_358, %add3A : vector<32x128xi32>
      %eq3A_360 = vector.broadcast %reduce_min3A_340 : f32 to vector<32x128xf32>
      %eq3A_361 = arith.cmpf oeq, %get3A_355, %eq3A_360 : vector<32x128xf32>
      %jit3A_362 = arith.constant 1073741824 : i32
      %broadcast_in_dim3A_363 = vector.broadcast %jit3A_362 : i32 to vector<32x128xi32>
      %select_n3A_364 = arith.select %eq3A_361, %add3A_359, %broadcast_in_dim3A_363 : vector<32x128xi1>, vector<32x128xi32>
      %reduce_min3A_365 = vector.shape_cast %select_n3A_364 : vector<32x128xi32> to vector<1x32x128xi32>
      %reduce_min3A_366 = arith.constant dense<2147483647> : vector<1xi32>
      %reduce_min3A_367 = vector.multi_reduction <minsi>, %reduce_min3A_365, %reduce_min3A_366 [1, 2] : vector<1x32x128xi32> to vector<1xi32>
      %reduce_min3A_368 = vector.shape_cast %reduce_min3A_367 : vector<1xi32> to vector<1x1x1xi32>
      %reduce_min3A_369 = vector.extract %reduce_min3A_368[0, 0, 0] : i32 from vector<1x1x1xi32>
      %eq3A_370 = arith.constant 0 : i32
      %eq3A_371 = vector.broadcast %eq3A_370 : i32 to vector<8x128xi32>
      %eq3A_372 = arith.cmpi eq, %iota3A_56, %eq3A_371 : vector<8x128xi32>
      %eq3A_373 = arith.constant 4 : i32
      %eq3A_374 = vector.broadcast %eq3A_373 : i32 to vector<8x128xi32>
      %eq3A_375 = arith.cmpi eq, %iota3A_57, %eq3A_374 : vector<8x128xi32>
      %and3A_376 = arith.andi %eq3A_372, %eq3A_375 : vector<8x128xi1>
      %broadcast_in_dim3A_377 = vector.broadcast %reduce_min3A_369 : i32 to vector<8x128xi32>
      %select_n3A_378 = arith.select %and3A_376, %broadcast_in_dim3A_377, %select_n3A_309 : vector<8x128xi1>, vector<8x128xi32>
      %eq3A_379 = vector.broadcast %reduce_min3A_369 : i32 to vector<32x128xi32>
      %eq3A_380 = arith.cmpi eq, %add3A_359, %eq3A_379 : vector<32x128xi32>
      %jit3A_381 = arith.constant 0x7F800000 : f32
      %broadcast_in_dim3A_382 = vector.broadcast %jit3A_381 : f32 to vector<32x128xf32>
      %select_n3A_383 = arith.select %eq3A_380, %broadcast_in_dim3A_382, %get3A_355 : vector<32x128xi1>, vector<32x128xf32>
      %swap3A_384 = arith.index_cast %reduce_min3A_350 : i32 to index
      %swap3A_385 = arith.constant 0 : index
      %swap3A_386 = arith.constant 0 : index
      %swap3A_387 = vector.load %arg4[%swap3A_384, %swap3A_385, %swap3A_386] : memref<25x32x128xf32, #tpu.memory_space<vmem>>, vector<1x32x128xf32>
      %swap3A_388 = vector.shape_cast %swap3A_387 : vector<1x32x128xf32> to vector<32x128xf32>
      %swap3A_389 = vector.shape_cast %select_n3A_383 : vector<32x128xf32> to vector<1x32x128xf32>
      tpu.vector_store %arg4[%swap3A_384, %swap3A_385, %swap3A_386], %swap3A_389 {strides = array<i32>} : memref<25x32x128xf32, #tpu.memory_space<vmem>>, vector<1x32x128xf32>,
      %eq3A_390 = vector.broadcast %reduce_min3A_350 : i32 to vector<1x128xi32>
      %eq3A_391 = arith.cmpi eq, %iota3A_31, %eq3A_390 : vector<1x128xi32>
      %reduce_min3A_392 = vector.shape_cast %select_n3A_383 : vector<32x128xf32> to vector<1x32x128xf32>
      %reduce_min3A_393 = arith.constant dense<0x7F800000> : vector<1xf32>
      %reduce_min3A_394 = vector.multi_reduction <minimumf>, %reduce_min3A_392, %reduce_min3A_393 [1, 2] : vector<1x32x128xf32> to vector<1xf32>
      %reduce_min3A_395 = vector.shape_cast %reduce_min3A_394 : vector<1xf32> to vector<1x1x1xf32>
      %reduce_min3A_396 = vector.extract %reduce_min3A_395[0, 0, 0] : f32 from vector<1x1x1xf32>
      %broadcast_in_dim3A_397 = vector.broadcast %reduce_min3A_396 : f32 to vector<1x128xf32>
      %select_n3A_398 = arith.select %eq3A_391, %broadcast_in_dim3A_397, %get3A_335 : vector<1x128xi1>, vector<1x128xf32>
      %swap3A_399 = arith.constant 0 : index
      %swap3A_400 = arith.constant 0 : index
      %swap3A_401 = vector.load %arg5[%swap3A_399, %swap3A_400] : memref<1x128xf32, #tpu.memory_space<vmem>>, vector<1x128xf32>
      tpu.vector_store %arg5[%swap3A_399, %swap3A_400], %select_n3A_398 {strides = array<i32>} : memref<1x128xf32, #tpu.memory_space<vmem>>, vector<1x128xf32>,
      %get3A_402 = arith.constant 0 : index
      %get3A_403 = arith.constant 0 : index
      %get3A_404 = vector.load %arg5[%get3A_402, %get3A_403] : memref<1x128xf32, #tpu.memory_space<vmem>>, vector<1x128xf32>
      %reduce_min3A_405 = vector.shape_cast %get3A_404 : vector<1x128xf32> to vector<1x1x128xf32>
      %reduce_min3A_406 = arith.constant dense<0x7F800000> : vector<1xf32>
      %reduce_min3A_407 = vector.multi_reduction <minimumf>, %reduce_min3A_405, %reduce_min3A_406 [1, 2] : vector<1x1x128xf32> to vector<1xf32>
      %reduce_min3A_408 = vector.shape_cast %reduce_min3A_407 : vector<1xf32> to vector<1x1x1xf32>
      %reduce_min3A_409 = vector.extract %reduce_min3A_408[0, 0, 0] : f32 from vector<1x1x1xf32>
      %eq3A_410 = vector.broadcast %reduce_min3A_409 : f32 to vector<1x128xf32>
      %eq3A_411 = arith.cmpf oeq, %get3A_404, %eq3A_410 : vector<1x128xf32>
      %jit3A_412 = arith.constant 1073741824 : i32
      %broadcast_in_dim3A_413 = vector.broadcast %jit3A_412 : i32 to vector<1x128xi32>
      %select_n3A_414 = arith.select %eq3A_411, %iota3A_31, %broadcast_in_dim3A_413 : vector<1x128xi1>, vector<1x128xi32>
      %reduce_min3A_415 = vector.shape_cast %select_n3A_414 : vector<1x128xi32> to vector<1x1x128xi32>
      %reduce_min3A_416 = arith.constant dense<2147483647> : vector<1xi32>
      %reduce_min3A_417 = vector.multi_reduction <minsi>, %reduce_min3A_415, %reduce_min3A_416 [1, 2] : vector<1x1x128xi32> to vector<1xi32>
      %reduce_min3A_418 = vector.shape_cast %reduce_min3A_417 : vector<1xi32> to vector<1x1x1xi32>
      %reduce_min3A_419 = vector.extract %reduce_min3A_418[0, 0, 0] : i32 from vector<1x1x1xi32>
      %get3A_420 = arith.index_cast %reduce_min3A_419 : i32 to index
      %get3A_421 = arith.constant 0 : index
      %get3A_422 = arith.constant 0 : index
      %get3A_423 = vector.load %arg4[%get3A_420, %get3A_421, %get3A_422] : memref<25x32x128xf32, #tpu.memory_space<vmem>>, vector<1x32x128xf32>
      %get3A_424 = vector.shape_cast %get3A_423 : vector<1x32x128xf32> to vector<32x128xf32>
      %mul3A_425 = arith.constant 4096 : i32
      %mul3A_426 = arith.muli %reduce_min3A_419, %mul3A_425 : i32
      %add3A_427 = vector.broadcast %mul3A_426 : i32 to vector<32x128xi32>
      %add3A_428 = arith.addi %add3A_427, %add3A : vector<32x128xi32>
      %eq3A_429 = vector.broadcast %reduce_min3A_409 : f32 to vector<32x128xf32>
      %eq3A_430 = arith.cmpf oeq, %get3A_424, %eq3A_429 : vector<32x128xf32>
      %jit3A_431 = arith.constant 1073741824 : i32
      %broadcast_in_dim3A_432 = vector.broadcast %jit3A_431 : i32 to vector<32x128xi32>
      %select_n3A_433 = arith.select %eq3A_430, %add3A_428, %broadcast_in_dim3A_432 : vector<32x128xi1>, vector<32x128xi32>
      %reduce_min3A_434 = vector.shape_cast %select_n3A_433 : vector<32x128xi32> to vector<1x32x128xi32>
      %reduce_min3A_435 = arith.constant dense<2147483647> : vector<1xi32>
      %reduce_min3A_436 = vector.multi_reduction <minsi>, %reduce_min3A_434, %reduce_min3A_435 [1, 2] : vector<1x32x128xi32> to vector<1xi32>
      %reduce_min3A_437 = vector.shape_cast %reduce_min3A_436 : vector<1xi32> to vector<1x1x1xi32>
      %reduce_min3A_438 = vector.extract %reduce_min3A_437[0, 0, 0] : i32 from vector<1x1x1xi32>
      %eq3A_439 = arith.constant 0 : i32
      %eq3A_440 = vector.broadcast %eq3A_439 : i32 to vector<8x128xi32>
      %eq3A_441 = arith.cmpi eq, %iota3A_56, %eq3A_440 : vector<8x128xi32>
      %eq3A_442 = arith.constant 5 : i32
      %eq3A_443 = vector.broadcast %eq3A_442 : i32 to vector<8x128xi32>
      %eq3A_444 = arith.cmpi eq, %iota3A_57, %eq3A_443 : vector<8x128xi32>
      %and3A_445 = arith.andi %eq3A_441, %eq3A_444 : vector<8x128xi1>
      %broadcast_in_dim3A_446 = vector.broadcast %reduce_min3A_438 : i32 to vector<8x128xi32>
      %select_n3A_447 = arith.select %and3A_445, %broadcast_in_dim3A_446, %select_n3A_378 : vector<8x128xi1>, vector<8x128xi32>
      %eq3A_448 = vector.broadcast %reduce_min3A_438 : i32 to vector<32x128xi32>
      %eq3A_449 = arith.cmpi eq, %add3A_428, %eq3A_448 : vector<32x128xi32>
      %jit3A_450 = arith.constant 0x7F800000 : f32
      %broadcast_in_dim3A_451 = vector.broadcast %jit3A_450 : f32 to vector<32x128xf32>
      %select_n3A_452 = arith.select %eq3A_449, %broadcast_in_dim3A_451, %get3A_424 : vector<32x128xi1>, vector<32x128xf32>
      %swap3A_453 = arith.index_cast %reduce_min3A_419 : i32 to index
      %swap3A_454 = arith.constant 0 : index
      %swap3A_455 = arith.constant 0 : index
      %swap3A_456 = vector.load %arg4[%swap3A_453, %swap3A_454, %swap3A_455] : memref<25x32x128xf32, #tpu.memory_space<vmem>>, vector<1x32x128xf32>
      %swap3A_457 = vector.shape_cast %swap3A_456 : vector<1x32x128xf32> to vector<32x128xf32>
      %swap3A_458 = vector.shape_cast %select_n3A_452 : vector<32x128xf32> to vector<1x32x128xf32>
      tpu.vector_store %arg4[%swap3A_453, %swap3A_454, %swap3A_455], %swap3A_458 {strides = array<i32>} : memref<25x32x128xf32, #tpu.memory_space<vmem>>, vector<1x32x128xf32>,
      %eq3A_459 = vector.broadcast %reduce_min3A_419 : i32 to vector<1x128xi32>
      %eq3A_460 = arith.cmpi eq, %iota3A_31, %eq3A_459 : vector<1x128xi32>
      %reduce_min3A_461 = vector.shape_cast %select_n3A_452 : vector<32x128xf32> to vector<1x32x128xf32>
      %reduce_min3A_462 = arith.constant dense<0x7F800000> : vector<1xf32>
      %reduce_min3A_463 = vector.multi_reduction <minimumf>, %reduce_min3A_461, %reduce_min3A_462 [1, 2] : vector<1x32x128xf32> to vector<1xf32>
      %reduce_min3A_464 = vector.shape_cast %reduce_min3A_463 : vector<1xf32> to vector<1x1x1xf32>
      %reduce_min3A_465 = vector.extract %reduce_min3A_464[0, 0, 0] : f32 from vector<1x1x1xf32>
      %broadcast_in_dim3A_466 = vector.broadcast %reduce_min3A_465 : f32 to vector<1x128xf32>
      %select_n3A_467 = arith.select %eq3A_460, %broadcast_in_dim3A_466, %get3A_404 : vector<1x128xi1>, vector<1x128xf32>
      %swap3A_468 = arith.constant 0 : index
      %swap3A_469 = arith.constant 0 : index
      %swap3A_470 = vector.load %arg5[%swap3A_468, %swap3A_469] : memref<1x128xf32, #tpu.memory_space<vmem>>, vector<1x128xf32>
      tpu.vector_store %arg5[%swap3A_468, %swap3A_469], %select_n3A_467 {strides = array<i32>} : memref<1x128xf32, #tpu.memory_space<vmem>>, vector<1x128xf32>,
      %get3A_471 = arith.constant 0 : index
      %get3A_472 = arith.constant 0 : index
      %get3A_473 = vector.load %arg5[%get3A_471, %get3A_472] : memref<1x128xf32, #tpu.memory_space<vmem>>, vector<1x128xf32>
      %reduce_min3A_474 = vector.shape_cast %get3A_473 : vector<1x128xf32> to vector<1x1x128xf32>
      %reduce_min3A_475 = arith.constant dense<0x7F800000> : vector<1xf32>
      %reduce_min3A_476 = vector.multi_reduction <minimumf>, %reduce_min3A_474, %reduce_min3A_475 [1, 2] : vector<1x1x128xf32> to vector<1xf32>
      %reduce_min3A_477 = vector.shape_cast %reduce_min3A_476 : vector<1xf32> to vector<1x1x1xf32>
      %reduce_min3A_478 = vector.extract %reduce_min3A_477[0, 0, 0] : f32 from vector<1x1x1xf32>
      %eq3A_479 = vector.broadcast %reduce_min3A_478 : f32 to vector<1x128xf32>
      %eq3A_480 = arith.cmpf oeq, %get3A_473, %eq3A_479 : vector<1x128xf32>
      %jit3A_481 = arith.constant 1073741824 : i32
      %broadcast_in_dim3A_482 = vector.broadcast %jit3A_481 : i32 to vector<1x128xi32>
      %select_n3A_483 = arith.select %eq3A_480, %iota3A_31, %broadcast_in_dim3A_482 : vector<1x128xi1>, vector<1x128xi32>
      %reduce_min3A_484 = vector.shape_cast %select_n3A_483 : vector<1x128xi32> to vector<1x1x128xi32>
      %reduce_min3A_485 = arith.constant dense<2147483647> : vector<1xi32>
      %reduce_min3A_486 = vector.multi_reduction <minsi>, %reduce_min3A_484, %reduce_min3A_485 [1, 2] : vector<1x1x128xi32> to vector<1xi32>
      %reduce_min3A_487 = vector.shape_cast %reduce_min3A_486 : vector<1xi32> to vector<1x1x1xi32>
      %reduce_min3A_488 = vector.extract %reduce_min3A_487[0, 0, 0] : i32 from vector<1x1x1xi32>
      %get3A_489 = arith.index_cast %reduce_min3A_488 : i32 to index
      %get3A_490 = arith.constant 0 : index
      %get3A_491 = arith.constant 0 : index
      %get3A_492 = vector.load %arg4[%get3A_489, %get3A_490, %get3A_491] : memref<25x32x128xf32, #tpu.memory_space<vmem>>, vector<1x32x128xf32>
      %get3A_493 = vector.shape_cast %get3A_492 : vector<1x32x128xf32> to vector<32x128xf32>
      %mul3A_494 = arith.constant 4096 : i32
      %mul3A_495 = arith.muli %reduce_min3A_488, %mul3A_494 : i32
      %add3A_496 = vector.broadcast %mul3A_495 : i32 to vector<32x128xi32>
      %add3A_497 = arith.addi %add3A_496, %add3A : vector<32x128xi32>
      %eq3A_498 = vector.broadcast %reduce_min3A_478 : f32 to vector<32x128xf32>
      %eq3A_499 = arith.cmpf oeq, %get3A_493, %eq3A_498 : vector<32x128xf32>
      %jit3A_500 = arith.constant 1073741824 : i32
      %broadcast_in_dim3A_501 = vector.broadcast %jit3A_500 : i32 to vector<32x128xi32>
      %select_n3A_502 = arith.select %eq3A_499, %add3A_497, %broadcast_in_dim3A_501 : vector<32x128xi1>, vector<32x128xi32>
      %reduce_min3A_503 = vector.shape_cast %select_n3A_502 : vector<32x128xi32> to vector<1x32x128xi32>
      %reduce_min3A_504 = arith.constant dense<2147483647> : vector<1xi32>
      %reduce_min3A_505 = vector.multi_reduction <minsi>, %reduce_min3A_503, %reduce_min3A_504 [1, 2] : vector<1x32x128xi32> to vector<1xi32>
      %reduce_min3A_506 = vector.shape_cast %reduce_min3A_505 : vector<1xi32> to vector<1x1x1xi32>
      %reduce_min3A_507 = vector.extract %reduce_min3A_506[0, 0, 0] : i32 from vector<1x1x1xi32>
      %eq3A_508 = arith.constant 0 : i32
      %eq3A_509 = vector.broadcast %eq3A_508 : i32 to vector<8x128xi32>
      %eq3A_510 = arith.cmpi eq, %iota3A_56, %eq3A_509 : vector<8x128xi32>
      %eq3A_511 = arith.constant 6 : i32
      %eq3A_512 = vector.broadcast %eq3A_511 : i32 to vector<8x128xi32>
      %eq3A_513 = arith.cmpi eq, %iota3A_57, %eq3A_512 : vector<8x128xi32>
      %and3A_514 = arith.andi %eq3A_510, %eq3A_513 : vector<8x128xi1>
      %broadcast_in_dim3A_515 = vector.broadcast %reduce_min3A_507 : i32 to vector<8x128xi32>
      %select_n3A_516 = arith.select %and3A_514, %broadcast_in_dim3A_515, %select_n3A_447 : vector<8x128xi1>, vector<8x128xi32>
      %eq3A_517 = vector.broadcast %reduce_min3A_507 : i32 to vector<32x128xi32>
      %eq3A_518 = arith.cmpi eq, %add3A_497, %eq3A_517 : vector<32x128xi32>
      %jit3A_519 = arith.constant 0x7F800000 : f32
      %broadcast_in_dim3A_520 = vector.broadcast %jit3A_519 : f32 to vector<32x128xf32>
      %select_n3A_521 = arith.select %eq3A_518, %broadcast_in_dim3A_520, %get3A_493 : vector<32x128xi1>, vector<32x128xf32>
      %swap3A_522 = arith.index_cast %reduce_min3A_488 : i32 to index
      %swap3A_523 = arith.constant 0 : index
      %swap3A_524 = arith.constant 0 : index
      %swap3A_525 = vector.load %arg4[%swap3A_522, %swap3A_523, %swap3A_524] : memref<25x32x128xf32, #tpu.memory_space<vmem>>, vector<1x32x128xf32>
      %swap3A_526 = vector.shape_cast %swap3A_525 : vector<1x32x128xf32> to vector<32x128xf32>
      %swap3A_527 = vector.shape_cast %select_n3A_521 : vector<32x128xf32> to vector<1x32x128xf32>
      tpu.vector_store %arg4[%swap3A_522, %swap3A_523, %swap3A_524], %swap3A_527 {strides = array<i32>} : memref<25x32x128xf32, #tpu.memory_space<vmem>>, vector<1x32x128xf32>,
      %eq3A_528 = vector.broadcast %reduce_min3A_488 : i32 to vector<1x128xi32>
      %eq3A_529 = arith.cmpi eq, %iota3A_31, %eq3A_528 : vector<1x128xi32>
      %reduce_min3A_530 = vector.shape_cast %select_n3A_521 : vector<32x128xf32> to vector<1x32x128xf32>
      %reduce_min3A_531 = arith.constant dense<0x7F800000> : vector<1xf32>
      %reduce_min3A_532 = vector.multi_reduction <minimumf>, %reduce_min3A_530, %reduce_min3A_531 [1, 2] : vector<1x32x128xf32> to vector<1xf32>
      %reduce_min3A_533 = vector.shape_cast %reduce_min3A_532 : vector<1xf32> to vector<1x1x1xf32>
      %reduce_min3A_534 = vector.extract %reduce_min3A_533[0, 0, 0] : f32 from vector<1x1x1xf32>
      %broadcast_in_dim3A_535 = vector.broadcast %reduce_min3A_534 : f32 to vector<1x128xf32>
      %select_n3A_536 = arith.select %eq3A_529, %broadcast_in_dim3A_535, %get3A_473 : vector<1x128xi1>, vector<1x128xf32>
      %swap3A_537 = arith.constant 0 : index
      %swap3A_538 = arith.constant 0 : index
      %swap3A_539 = vector.load %arg5[%swap3A_537, %swap3A_538] : memref<1x128xf32, #tpu.memory_space<vmem>>, vector<1x128xf32>
      tpu.vector_store %arg5[%swap3A_537, %swap3A_538], %select_n3A_536 {strides = array<i32>} : memref<1x128xf32, #tpu.memory_space<vmem>>, vector<1x128xf32>,
      %get3A_540 = arith.constant 0 : index
      %get3A_541 = arith.constant 0 : index
      %get3A_542 = vector.load %arg5[%get3A_540, %get3A_541] : memref<1x128xf32, #tpu.memory_space<vmem>>, vector<1x128xf32>
      %reduce_min3A_543 = vector.shape_cast %get3A_542 : vector<1x128xf32> to vector<1x1x128xf32>
      %reduce_min3A_544 = arith.constant dense<0x7F800000> : vector<1xf32>
      %reduce_min3A_545 = vector.multi_reduction <minimumf>, %reduce_min3A_543, %reduce_min3A_544 [1, 2] : vector<1x1x128xf32> to vector<1xf32>
      %reduce_min3A_546 = vector.shape_cast %reduce_min3A_545 : vector<1xf32> to vector<1x1x1xf32>
      %reduce_min3A_547 = vector.extract %reduce_min3A_546[0, 0, 0] : f32 from vector<1x1x1xf32>
      %eq3A_548 = vector.broadcast %reduce_min3A_547 : f32 to vector<1x128xf32>
      %eq3A_549 = arith.cmpf oeq, %get3A_542, %eq3A_548 : vector<1x128xf32>
      %jit3A_550 = arith.constant 1073741824 : i32
      %broadcast_in_dim3A_551 = vector.broadcast %jit3A_550 : i32 to vector<1x128xi32>
      %select_n3A_552 = arith.select %eq3A_549, %iota3A_31, %broadcast_in_dim3A_551 : vector<1x128xi1>, vector<1x128xi32>
      %reduce_min3A_553 = vector.shape_cast %select_n3A_552 : vector<1x128xi32> to vector<1x1x128xi32>
      %reduce_min3A_554 = arith.constant dense<2147483647> : vector<1xi32>
      %reduce_min3A_555 = vector.multi_reduction <minsi>, %reduce_min3A_553, %reduce_min3A_554 [1, 2] : vector<1x1x128xi32> to vector<1xi32>
      %reduce_min3A_556 = vector.shape_cast %reduce_min3A_555 : vector<1xi32> to vector<1x1x1xi32>
      %reduce_min3A_557 = vector.extract %reduce_min3A_556[0, 0, 0] : i32 from vector<1x1x1xi32>
      %get3A_558 = arith.index_cast %reduce_min3A_557 : i32 to index
      %get3A_559 = arith.constant 0 : index
      %get3A_560 = arith.constant 0 : index
      %get3A_561 = vector.load %arg4[%get3A_558, %get3A_559, %get3A_560] : memref<25x32x128xf32, #tpu.memory_space<vmem>>, vector<1x32x128xf32>
      %get3A_562 = vector.shape_cast %get3A_561 : vector<1x32x128xf32> to vector<32x128xf32>
      %mul3A_563 = arith.constant 4096 : i32
      %mul3A_564 = arith.muli %reduce_min3A_557, %mul3A_563 : i32
      %add3A_565 = vector.broadcast %mul3A_564 : i32 to vector<32x128xi32>
      %add3A_566 = arith.addi %add3A_565, %add3A : vector<32x128xi32>
      %eq3A_567 = vector.broadcast %reduce_min3A_547 : f32 to vector<32x128xf32>
      %eq3A_568 = arith.cmpf oeq, %get3A_562, %eq3A_567 : vector<32x128xf32>
      %jit3A_569 = arith.constant 1073741824 : i32
      %broadcast_in_dim3A_570 = vector.broadcast %jit3A_569 : i32 to vector<32x128xi32>
      %select_n3A_571 = arith.select %eq3A_568, %add3A_566, %broadcast_in_dim3A_570 : vector<32x128xi1>, vector<32x128xi32>
      %reduce_min3A_572 = vector.shape_cast %select_n3A_571 : vector<32x128xi32> to vector<1x32x128xi32>
      %reduce_min3A_573 = arith.constant dense<2147483647> : vector<1xi32>
      %reduce_min3A_574 = vector.multi_reduction <minsi>, %reduce_min3A_572, %reduce_min3A_573 [1, 2] : vector<1x32x128xi32> to vector<1xi32>
      %reduce_min3A_575 = vector.shape_cast %reduce_min3A_574 : vector<1xi32> to vector<1x1x1xi32>
      %reduce_min3A_576 = vector.extract %reduce_min3A_575[0, 0, 0] : i32 from vector<1x1x1xi32>
      %eq3A_577 = arith.constant 0 : i32
      %eq3A_578 = vector.broadcast %eq3A_577 : i32 to vector<8x128xi32>
      %eq3A_579 = arith.cmpi eq, %iota3A_56, %eq3A_578 : vector<8x128xi32>
      %eq3A_580 = arith.constant 7 : i32
      %eq3A_581 = vector.broadcast %eq3A_580 : i32 to vector<8x128xi32>
      %eq3A_582 = arith.cmpi eq, %iota3A_57, %eq3A_581 : vector<8x128xi32>
      %and3A_583 = arith.andi %eq3A_579, %eq3A_582 : vector<8x128xi1>
      %broadcast_in_dim3A_584 = vector.broadcast %reduce_min3A_576 : i32 to vector<8x128xi32>
      %select_n3A_585 = arith.select %and3A_583, %broadcast_in_dim3A_584, %select_n3A_516 : vector<8x128xi1>, vector<8x128xi32>
      %eq3A_586 = vector.broadcast %reduce_min3A_576 : i32 to vector<32x128xi32>
      %eq3A_587 = arith.cmpi eq, %add3A_566, %eq3A_586 : vector<32x128xi32>
      %jit3A_588 = arith.constant 0x7F800000 : f32
      %broadcast_in_dim3A_589 = vector.broadcast %jit3A_588 : f32 to vector<32x128xf32>
      %select_n3A_590 = arith.select %eq3A_587, %broadcast_in_dim3A_589, %get3A_562 : vector<32x128xi1>, vector<32x128xf32>
      %swap3A_591 = arith.index_cast %reduce_min3A_557 : i32 to index
      %swap3A_592 = arith.constant 0 : index
      %swap3A_593 = arith.constant 0 : index
      %swap3A_594 = vector.load %arg4[%swap3A_591, %swap3A_592, %swap3A_593] : memref<25x32x128xf32, #tpu.memory_space<vmem>>, vector<1x32x128xf32>
      %swap3A_595 = vector.shape_cast %swap3A_594 : vector<1x32x128xf32> to vector<32x128xf32>
      %swap3A_596 = vector.shape_cast %select_n3A_590 : vector<32x128xf32> to vector<1x32x128xf32>
      tpu.vector_store %arg4[%swap3A_591, %swap3A_592, %swap3A_593], %swap3A_596 {strides = array<i32>} : memref<25x32x128xf32, #tpu.memory_space<vmem>>, vector<1x32x128xf32>,
      %eq3A_597 = vector.broadcast %reduce_min3A_557 : i32 to vector<1x128xi32>
      %eq3A_598 = arith.cmpi eq, %iota3A_31, %eq3A_597 : vector<1x128xi32>
      %reduce_min3A_599 = vector.shape_cast %select_n3A_590 : vector<32x128xf32> to vector<1x32x128xf32>
      %reduce_min3A_600 = arith.constant dense<0x7F800000> : vector<1xf32>
      %reduce_min3A_601 = vector.multi_reduction <minimumf>, %reduce_min3A_599, %reduce_min3A_600 [1, 2] : vector<1x32x128xf32> to vector<1xf32>
      %reduce_min3A_602 = vector.shape_cast %reduce_min3A_601 : vector<1xf32> to vector<1x1x1xf32>
      %reduce_min3A_603 = vector.extract %reduce_min3A_602[0, 0, 0] : f32 from vector<1x1x1xf32>
      %broadcast_in_dim3A_604 = vector.broadcast %reduce_min3A_603 : f32 to vector<1x128xf32>
      %select_n3A_605 = arith.select %eq3A_598, %broadcast_in_dim3A_604, %get3A_542 : vector<1x128xi1>, vector<1x128xf32>
      %swap3A_606 = arith.constant 0 : index
      %swap3A_607 = arith.constant 0 : index
      %swap3A_608 = vector.load %arg5[%swap3A_606, %swap3A_607] : memref<1x128xf32, #tpu.memory_space<vmem>>, vector<1x128xf32>
      tpu.vector_store %arg5[%swap3A_606, %swap3A_607], %select_n3A_605 {strides = array<i32>} : memref<1x128xf32, #tpu.memory_space<vmem>>, vector<1x128xf32>,
      %get3A_609 = arith.constant 0 : index
      %get3A_610 = arith.constant 0 : index
      %get3A_611 = vector.load %arg5[%get3A_609, %get3A_610] : memref<1x128xf32, #tpu.memory_space<vmem>>, vector<1x128xf32>
      %reduce_min3A_612 = vector.shape_cast %get3A_611 : vector<1x128xf32> to vector<1x1x128xf32>
      %reduce_min3A_613 = arith.constant dense<0x7F800000> : vector<1xf32>
      %reduce_min3A_614 = vector.multi_reduction <minimumf>, %reduce_min3A_612, %reduce_min3A_613 [1, 2] : vector<1x1x128xf32> to vector<1xf32>
      %reduce_min3A_615 = vector.shape_cast %reduce_min3A_614 : vector<1xf32> to vector<1x1x1xf32>
      %reduce_min3A_616 = vector.extract %reduce_min3A_615[0, 0, 0] : f32 from vector<1x1x1xf32>
      %eq3A_617 = vector.broadcast %reduce_min3A_616 : f32 to vector<1x128xf32>
      %eq3A_618 = arith.cmpf oeq, %get3A_611, %eq3A_617 : vector<1x128xf32>
      %jit3A_619 = arith.constant 1073741824 : i32
      %broadcast_in_dim3A_620 = vector.broadcast %jit3A_619 : i32 to vector<1x128xi32>
      %select_n3A_621 = arith.select %eq3A_618, %iota3A_31, %broadcast_in_dim3A_620 : vector<1x128xi1>, vector<1x128xi32>
      %reduce_min3A_622 = vector.shape_cast %select_n3A_621 : vector<1x128xi32> to vector<1x1x128xi32>
      %reduce_min3A_623 = arith.constant dense<2147483647> : vector<1xi32>
      %reduce_min3A_624 = vector.multi_reduction <minsi>, %reduce_min3A_622, %reduce_min3A_623 [1, 2] : vector<1x1x128xi32> to vector<1xi32>
      %reduce_min3A_625 = vector.shape_cast %reduce_min3A_624 : vector<1xi32> to vector<1x1x1xi32>
      %reduce_min3A_626 = vector.extract %reduce_min3A_625[0, 0, 0] : i32 from vector<1x1x1xi32>
      %get3A_627 = arith.index_cast %reduce_min3A_626 : i32 to index
      %get3A_628 = arith.constant 0 : index
      %get3A_629 = arith.constant 0 : index
      %get3A_630 = vector.load %arg4[%get3A_627, %get3A_628, %get3A_629] : memref<25x32x128xf32, #tpu.memory_space<vmem>>, vector<1x32x128xf32>
      %get3A_631 = vector.shape_cast %get3A_630 : vector<1x32x128xf32> to vector<32x128xf32>
      %mul3A_632 = arith.constant 4096 : i32
      %mul3A_633 = arith.muli %reduce_min3A_626, %mul3A_632 : i32
      %add3A_634 = vector.broadcast %mul3A_633 : i32 to vector<32x128xi32>
      %add3A_635 = arith.addi %add3A_634, %add3A : vector<32x128xi32>
      %eq3A_636 = vector.broadcast %reduce_min3A_616 : f32 to vector<32x128xf32>
      %eq3A_637 = arith.cmpf oeq, %get3A_631, %eq3A_636 : vector<32x128xf32>
      %jit3A_638 = arith.constant 1073741824 : i32
      %broadcast_in_dim3A_639 = vector.broadcast %jit3A_638 : i32 to vector<32x128xi32>
      %select_n3A_640 = arith.select %eq3A_637, %add3A_635, %broadcast_in_dim3A_639 : vector<32x128xi1>, vector<32x128xi32>
      %reduce_min3A_641 = vector.shape_cast %select_n3A_640 : vector<32x128xi32> to vector<1x32x128xi32>
      %reduce_min3A_642 = arith.constant dense<2147483647> : vector<1xi32>
      %reduce_min3A_643 = vector.multi_reduction <minsi>, %reduce_min3A_641, %reduce_min3A_642 [1, 2] : vector<1x32x128xi32> to vector<1xi32>
      %reduce_min3A_644 = vector.shape_cast %reduce_min3A_643 : vector<1xi32> to vector<1x1x1xi32>
      %reduce_min3A_645 = vector.extract %reduce_min3A_644[0, 0, 0] : i32 from vector<1x1x1xi32>
      %eq3A_646 = arith.constant 0 : i32
      %eq3A_647 = vector.broadcast %eq3A_646 : i32 to vector<8x128xi32>
      %eq3A_648 = arith.cmpi eq, %iota3A_56, %eq3A_647 : vector<8x128xi32>
      %eq3A_649 = arith.constant 8 : i32
      %eq3A_650 = vector.broadcast %eq3A_649 : i32 to vector<8x128xi32>
      %eq3A_651 = arith.cmpi eq, %iota3A_57, %eq3A_650 : vector<8x128xi32>
      %and3A_652 = arith.andi %eq3A_648, %eq3A_651 : vector<8x128xi1>
      %broadcast_in_dim3A_653 = vector.broadcast %reduce_min3A_645 : i32 to vector<8x128xi32>
      %select_n3A_654 = arith.select %and3A_652, %broadcast_in_dim3A_653, %select_n3A_585 : vector<8x128xi1>, vector<8x128xi32>
      %eq3A_655 = vector.broadcast %reduce_min3A_645 : i32 to vector<32x128xi32>
      %eq3A_656 = arith.cmpi eq, %add3A_635, %eq3A_655 : vector<32x128xi32>
      %jit3A_657 = arith.constant 0x7F800000 : f32
      %broadcast_in_dim3A_658 = vector.broadcast %jit3A_657 : f32 to vector<32x128xf32>
      %select_n3A_659 = arith.select %eq3A_656, %broadcast_in_dim3A_658, %get3A_631 : vector<32x128xi1>, vector<32x128xf32>
      %swap3A_660 = arith.index_cast %reduce_min3A_626 : i32 to index
      %swap3A_661 = arith.constant 0 : index
      %swap3A_662 = arith.constant 0 : index
      %swap3A_663 = vector.load %arg4[%swap3A_660, %swap3A_661, %swap3A_662] : memref<25x32x128xf32, #tpu.memory_space<vmem>>, vector<1x32x128xf32>
      %swap3A_664 = vector.shape_cast %swap3A_663 : vector<1x32x128xf32> to vector<32x128xf32>
      %swap3A_665 = vector.shape_cast %select_n3A_659 : vector<32x128xf32> to vector<1x32x128xf32>
      tpu.vector_store %arg4[%swap3A_660, %swap3A_661, %swap3A_662], %swap3A_665 {strides = array<i32>} : memref<25x32x128xf32, #tpu.memory_space<vmem>>, vector<1x32x128xf32>,
      %eq3A_666 = vector.broadcast %reduce_min3A_626 : i32 to vector<1x128xi32>
      %eq3A_667 = arith.cmpi eq, %iota3A_31, %eq3A_666 : vector<1x128xi32>
      %reduce_min3A_668 = vector.shape_cast %select_n3A_659 : vector<32x128xf32> to vector<1x32x128xf32>
      %reduce_min3A_669 = arith.constant dense<0x7F800000> : vector<1xf32>
      %reduce_min3A_670 = vector.multi_reduction <minimumf>, %reduce_min3A_668, %reduce_min3A_669 [1, 2] : vector<1x32x128xf32> to vector<1xf32>
      %reduce_min3A_671 = vector.shape_cast %reduce_min3A_670 : vector<1xf32> to vector<1x1x1xf32>
      %reduce_min3A_672 = vector.extract %reduce_min3A_671[0, 0, 0] : f32 from vector<1x1x1xf32>
      %broadcast_in_dim3A_673 = vector.broadcast %reduce_min3A_672 : f32 to vector<1x128xf32>
      %select_n3A_674 = arith.select %eq3A_667, %broadcast_in_dim3A_673, %get3A_611 : vector<1x128xi1>, vector<1x128xf32>
      %swap3A_675 = arith.constant 0 : index
      %swap3A_676 = arith.constant 0 : index
      %swap3A_677 = vector.load %arg5[%swap3A_675, %swap3A_676] : memref<1x128xf32, #tpu.memory_space<vmem>>, vector<1x128xf32>
      tpu.vector_store %arg5[%swap3A_675, %swap3A_676], %select_n3A_674 {strides = array<i32>} : memref<1x128xf32, #tpu.memory_space<vmem>>, vector<1x128xf32>,
      %get3A_678 = arith.constant 0 : index
      %get3A_679 = arith.constant 0 : index
      %get3A_680 = vector.load %arg5[%get3A_678, %get3A_679] : memref<1x128xf32, #tpu.memory_space<vmem>>, vector<1x128xf32>
      %reduce_min3A_681 = vector.shape_cast %get3A_680 : vector<1x128xf32> to vector<1x1x128xf32>
      %reduce_min3A_682 = arith.constant dense<0x7F800000> : vector<1xf32>
      %reduce_min3A_683 = vector.multi_reduction <minimumf>, %reduce_min3A_681, %reduce_min3A_682 [1, 2] : vector<1x1x128xf32> to vector<1xf32>
      %reduce_min3A_684 = vector.shape_cast %reduce_min3A_683 : vector<1xf32> to vector<1x1x1xf32>
      %reduce_min3A_685 = vector.extract %reduce_min3A_684[0, 0, 0] : f32 from vector<1x1x1xf32>
      %eq3A_686 = vector.broadcast %reduce_min3A_685 : f32 to vector<1x128xf32>
      %eq3A_687 = arith.cmpf oeq, %get3A_680, %eq3A_686 : vector<1x128xf32>
      %jit3A_688 = arith.constant 1073741824 : i32
      %broadcast_in_dim3A_689 = vector.broadcast %jit3A_688 : i32 to vector<1x128xi32>
      %select_n3A_690 = arith.select %eq3A_687, %iota3A_31, %broadcast_in_dim3A_689 : vector<1x128xi1>, vector<1x128xi32>
      %reduce_min3A_691 = vector.shape_cast %select_n3A_690 : vector<1x128xi32> to vector<1x1x128xi32>
      %reduce_min3A_692 = arith.constant dense<2147483647> : vector<1xi32>
      %reduce_min3A_693 = vector.multi_reduction <minsi>, %reduce_min3A_691, %reduce_min3A_692 [1, 2] : vector<1x1x128xi32> to vector<1xi32>
      %reduce_min3A_694 = vector.shape_cast %reduce_min3A_693 : vector<1xi32> to vector<1x1x1xi32>
      %reduce_min3A_695 = vector.extract %reduce_min3A_694[0, 0, 0] : i32 from vector<1x1x1xi32>
      %get3A_696 = arith.index_cast %reduce_min3A_695 : i32 to index
      %get3A_697 = arith.constant 0 : index
      %get3A_698 = arith.constant 0 : index
      %get3A_699 = vector.load %arg4[%get3A_696, %get3A_697, %get3A_698] : memref<25x32x128xf32, #tpu.memory_space<vmem>>, vector<1x32x128xf32>
      %get3A_700 = vector.shape_cast %get3A_699 : vector<1x32x128xf32> to vector<32x128xf32>
      %mul3A_701 = arith.constant 4096 : i32
      %mul3A_702 = arith.muli %reduce_min3A_695, %mul3A_701 : i32
      %add3A_703 = vector.broadcast %mul3A_702 : i32 to vector<32x128xi32>
      %add3A_704 = arith.addi %add3A_703, %add3A : vector<32x128xi32>
      %eq3A_705 = vector.broadcast %reduce_min3A_685 : f32 to vector<32x128xf32>
      %eq3A_706 = arith.cmpf oeq, %get3A_700, %eq3A_705 : vector<32x128xf32>
      %jit3A_707 = arith.constant 1073741824 : i32
      %broadcast_in_dim3A_708 = vector.broadcast %jit3A_707 : i32 to vector<32x128xi32>
      %select_n3A_709 = arith.select %eq3A_706, %add3A_704, %broadcast_in_dim3A_708 : vector<32x128xi1>, vector<32x128xi32>
      %reduce_min3A_710 = vector.shape_cast %select_n3A_709 : vector<32x128xi32> to vector<1x32x128xi32>
      %reduce_min3A_711 = arith.constant dense<2147483647> : vector<1xi32>
      %reduce_min3A_712 = vector.multi_reduction <minsi>, %reduce_min3A_710, %reduce_min3A_711 [1, 2] : vector<1x32x128xi32> to vector<1xi32>
      %reduce_min3A_713 = vector.shape_cast %reduce_min3A_712 : vector<1xi32> to vector<1x1x1xi32>
      %reduce_min3A_714 = vector.extract %reduce_min3A_713[0, 0, 0] : i32 from vector<1x1x1xi32>
      %eq3A_715 = arith.constant 0 : i32
      %eq3A_716 = vector.broadcast %eq3A_715 : i32 to vector<8x128xi32>
      %eq3A_717 = arith.cmpi eq, %iota3A_56, %eq3A_716 : vector<8x128xi32>
      %eq3A_718 = arith.constant 9 : i32
      %eq3A_719 = vector.broadcast %eq3A_718 : i32 to vector<8x128xi32>
      %eq3A_720 = arith.cmpi eq, %iota3A_57, %eq3A_719 : vector<8x128xi32>
      %and3A_721 = arith.andi %eq3A_717, %eq3A_720 : vector<8x128xi1>
      %broadcast_in_dim3A_722 = vector.broadcast %reduce_min3A_714 : i32 to vector<8x128xi32>
      %select_n3A_723 = arith.select %and3A_721, %broadcast_in_dim3A_722, %select_n3A_654 : vector<8x128xi1>, vector<8x128xi32>
      %eq3A_724 = vector.broadcast %reduce_min3A_714 : i32 to vector<32x128xi32>
      %eq3A_725 = arith.cmpi eq, %add3A_704, %eq3A_724 : vector<32x128xi32>
      %jit3A_726 = arith.constant 0x7F800000 : f32
      %broadcast_in_dim3A_727 = vector.broadcast %jit3A_726 : f32 to vector<32x128xf32>
      %select_n3A_728 = arith.select %eq3A_725, %broadcast_in_dim3A_727, %get3A_700 : vector<32x128xi1>, vector<32x128xf32>
      %swap3A_729 = arith.index_cast %reduce_min3A_695 : i32 to index
      %swap3A_730 = arith.constant 0 : index
      %swap3A_731 = arith.constant 0 : index
      %swap3A_732 = vector.load %arg4[%swap3A_729, %swap3A_730, %swap3A_731] : memref<25x32x128xf32, #tpu.memory_space<vmem>>, vector<1x32x128xf32>
      %swap3A_733 = vector.shape_cast %swap3A_732 : vector<1x32x128xf32> to vector<32x128xf32>
      %swap3A_734 = vector.shape_cast %select_n3A_728 : vector<32x128xf32> to vector<1x32x128xf32>
      tpu.vector_store %arg4[%swap3A_729, %swap3A_730, %swap3A_731], %swap3A_734 {strides = array<i32>} : memref<25x32x128xf32, #tpu.memory_space<vmem>>, vector<1x32x128xf32>,
      %eq3A_735 = vector.broadcast %reduce_min3A_695 : i32 to vector<1x128xi32>
      %eq3A_736 = arith.cmpi eq, %iota3A_31, %eq3A_735 : vector<1x128xi32>
      %reduce_min3A_737 = vector.shape_cast %select_n3A_728 : vector<32x128xf32> to vector<1x32x128xf32>
      %reduce_min3A_738 = arith.constant dense<0x7F800000> : vector<1xf32>
      %reduce_min3A_739 = vector.multi_reduction <minimumf>, %reduce_min3A_737, %reduce_min3A_738 [1, 2] : vector<1x32x128xf32> to vector<1xf32>
      %reduce_min3A_740 = vector.shape_cast %reduce_min3A_739 : vector<1xf32> to vector<1x1x1xf32>
      %reduce_min3A_741 = vector.extract %reduce_min3A_740[0, 0, 0] : f32 from vector<1x1x1xf32>
      %broadcast_in_dim3A_742 = vector.broadcast %reduce_min3A_741 : f32 to vector<1x128xf32>
      %select_n3A_743 = arith.select %eq3A_736, %broadcast_in_dim3A_742, %get3A_680 : vector<1x128xi1>, vector<1x128xf32>
      %swap3A_744 = arith.constant 0 : index
      %swap3A_745 = arith.constant 0 : index
      %swap3A_746 = vector.load %arg5[%swap3A_744, %swap3A_745] : memref<1x128xf32, #tpu.memory_space<vmem>>, vector<1x128xf32>
      tpu.vector_store %arg5[%swap3A_744, %swap3A_745], %select_n3A_743 {strides = array<i32>} : memref<1x128xf32, #tpu.memory_space<vmem>>, vector<1x128xf32>,
      %swap3A_747 = arith.constant 0 : index
      %swap3A_748 = arith.constant 0 : index
      %swap3A_749 = vector.load %arg3[%swap3A_747, %swap3A_748] : memref<8x128xi32, #tpu.memory_space<vmem>>, vector<8x128xi32>
      tpu.vector_store %arg3[%swap3A_747, %swap3A_748], %select_n3A_723 {strides = array<i32>} : memref<8x128xi32, #tpu.memory_space<vmem>>, vector<8x128xi32>,
    } else {
    }
    return
  }
  func.func @transform_0(%arg0: i32) -> (i32, i32) {
    %c0_i32 = arith.constant 0 : i32
    %c0_i32_0 = arith.constant 0 : i32
    return %arg0, %c0_i32 : i32, i32
  }
  func.func @transform_1(%arg0: i32) -> (i32, i32) {
    %c0_i32 = arith.constant 0 : i32
    %c0_i32_0 = arith.constant 0 : i32
    %c0_i32_1 = arith.constant 0 : i32
    return %c0_i32, %c0_i32_0 : i32, i32
  }
  func.func @transform_2(%arg0: i32) -> (i32, i32) {
    %c0_i32 = arith.constant 0 : i32
    %c0_i32_0 = arith.constant 0 : i32
    %c0_i32_1 = arith.constant 0 : i32
    return %c0_i32, %c0_i32_0 : i32, i32
  }
}

</mosaic_0001>

<sc_bundles>
// kernel: kernel.5.cloned.1.call-start
scs
__scs_entry_jumppad:
0x0: {  	(pc) =	sbr.rel $0x88, $3  }
0x1: {  	(tag) =	ssettag $0x0;
	lr =	simm.s32 $0x1  }
0x2: {  	[smem:$0x3F99] =	sst lr;
	_ =	strace $0xD0000000  }
0x3: {  	_ = 	snop  }
0x4: {  	_ = 	snop  }
0x5: {  	_ = 	snop  }
0x6: {  	_ = 	snop  }
0x7: {  	_ = 	snop  }
__scs_overlays_trampoline_lowered:
0x8: {  	[smem:$0x3FA8] =	sst s0  }
0x9: {  	[smem:$0x3FA9] =	sst s1  }
0xa: {  	[smem:$0x3FAA] =	sst s2  }
0xb: {  	[smem:$0x3FAB] =	sst s3  }
0xc: {  	[smem:$0x3FAC] =	sst s4  }
0xd: {  	[smem:$0x3FAD] =	sst s5  }
0xe: {  	[smem:$0x3FAE] =	sst s6  }
0xf: {  	[smem:$0x3FAF] =	sst s7  }
0x10: {  	[smem:$0x3FB0] =	sst s8  }
0x11: {  	[smem:$0x3FB1] =	sst s9;
	s0 =	simm.s32 @!p0 $0x0  }
0x12: {  	s1 =	sld [smem:$0x3F97];
	s0 =	simm.s32 @p0 $0x1  }
0x13: {  	[smem:$0x3FB2] =	sst s0;
	s0 =	simm.s32 @!p1 $0x0  }
0x14: {  	s2 =	sld [smem:$0x3F96];
	s0 =	simm.s32 @p1 $0x1  }
0x15: {  	[smem:$0x3FB3] =	sst s0;
	s0 =	simm.s32 @!p2 $0x0  }
0x16: {  	s3 =	sld [smem:$0x3FDB];
	s0 =	simm.s32 @p2 $0x1  }
0x17: {  	s4 =	simm.s32 $0x1BF5;
	[smem:$0x3FB5] =	sst s0  }
0x18: {  	s0 =	sld [smem:$0x3F98];
	_ =	swait.ge [sflag:s4], $0x0  }
0x19: {  	s7 =	sld [smem:$0x3F99]  }
0x1a: {  	s8 =	sadd.s32 $0xFFFFE003, lr  }
0x1b: {  	s9 =	sadd.s32 $0xFFFFFEF7, lr;
	s5 =	simm.s32 $0xFFFFFFFF;
	p2 =	slt.u32 s8, $0xFFFFF086  }
0x1c: {  	p1 =	slt.u32 s9, $0xF7A;
	s5 =	simm.s32 @!p2 $0x0  }
0x1d: {  	s5 =	simm.s32 @p1 $0x1;
	p0 =	seq.s32 s7, s2  }
0x1e: {  	s7 =	smul.u32 @!p0 $0xF7A, s2;
	p2 =	seq.s32 @!p0 s5, $0x0  }
0x1f: {  	s9 =	smul.u32 $0xF7A, s1;
	s8 =	simm.s32 @!p0 $0x1BF5;
	p2 =	por !p2, p0  }
0x20: {  	[sflag:s8] =	ssyncset.s32 @!p0 $0xFFFFF086;
	s6 =	sadd.s32 @!p0 s3, s7;
	s7 =	simm.s32 @!p0 $0x108  }
0x21: {  	s3 =	sadd.s32 s3, s9;
	s6 =	sadd.s32 @!p0 $0x88, s6;
	s7 =	simm.s32 @p2 $0x1082  }
0x22: {  	[simem:s7], [sflag:s8] =	dma.local @!p0 [hbm:s6], $0xF7A  }
0x23: {  	s9 =	sor.u32 $0xD0000000, s2;
	s6 =	simm.s32 $0x108;
	_ =	swait.ge @!p0 [sflag:s8], $0x0  }
0x24: {  	s3 =	sadd.s32 $0x88, s3;
	s6 =	simm.s32 @!p1 $0x1082;
	[sflag:s4] =	ssyncset.s32 $0xFFFFF086  }
0x25: {  	[simem:s6], [sflag:s4] =	dma.local [hbm:s3], $0xF7A  }
0x26: {  	[smem:$0x3F99] =	sst s1;
	(tag) =	ssettag s2;
	_ =	strace s9  }
0x27: {  	s1 =	sld [smem:$0x3FA9]  }
0x28: {  	s2 =	sld [smem:$0x3FAA]  }
0x29: {  	s4 =	sld [smem:$0x3FAC]  }
0x2a: {  	p0 =	seq.s32 s5, $0x0;
	s5 =	sld [smem:$0x3FAD]  }
0x2b: {  	s6 =	sld [smem:$0x3FAE]  }
0x2c: {  	s7 =	sld [smem:$0x3FAF]  }
0x2d: {  	s3 =	simm.s32 $0x108;
	s8 =	sld [smem:$0x3FB0]  }
0x2e: {  	s3 =	simm.s32 @!p0 $0x1082;
	s9 =	sld [smem:$0x3FB1]  }
0x2f: {  	lr =	sadd.s32 s0, s3;
	s0 =	sld [smem:$0x3FA8]  }
0x30: {  	s3 =	sld [smem:$0x3FAB]  }
0x31: {  	[smem:$0x3FB4] =	sst s10  }
0x32: {  	s10 =	sld [smem:$0x3FB2];
	_ =	sdelay $0x3  }
0x33: {  	p0 =	seq.s32 s10, $0x1;
	s10 =	sld [smem:$0x3FB4];
	_ =	sdelay $0x3  }
0x34: {  	[smem:$0x3FB4] =	sst s10  }
0x35: {  	s10 =	sld [smem:$0x3FB3];
	_ =	sdelay $0x3  }
0x36: {  	p1 =	seq.s32 s10, $0x1;
	s10 =	sld [smem:$0x3FB4];
	_ =	sdelay $0x3  }
0x37: {  	[smem:$0x3FB4] =	sst s10  }
0x38: {  	s10 =	sld [smem:$0x3FB5]  }
0x39: {  	_ = 	snop;
	(pc) =	sbr.ind lr, $3  }
0x3a: {  	_ = 	snop  }
0x3b: {  	_ = 	snop  }
0x3c: {  	p2 =	seq.s32 s10, $0x1;
	s10 =	sld [smem:$0x3FB4]  }
0x3d: {  	_ =	shalt  }
0x3e: {  	_ =	shalt  }
0x3f: {  	_ =	shalt  }
0x40: {  	_ =	shalt  }
0x41: {  	_ =	shalt  }
0x42: {  	_ =	shalt  }
0x43: {  	_ =	shalt  }
0x44: {  	_ =	shalt  }
0x45: {  	_ =	shalt  }
0x46: {  	_ =	shalt  }
0x47: {  	_ =	shalt  }
0x48: {  	_ =	shalt  }
0x49: {  	_ =	shalt  }
0x4a: {  	_ =	shalt  }
0x4b: {  	_ =	shalt  }
0x4c: {  	_ =	shalt  }
0x4d: {  	_ =	shalt  }
0x4e: {  	_ =	shalt  }
0x4f: {  	_ =	shalt  }
0x50: {  	_ =	shalt  }
0x51: {  	_ =	shalt  }
0x52: {  	_ =	shalt  }
0x53: {  	_ =	shalt  }
0x54: {  	_ =	shalt  }
0x55: {  	_ =	shalt  }
0x56: {  	_ =	shalt  }
0x57: {  	_ =	shalt  }
0x58: {  	_ =	shalt  }
0x59: {  	_ =	shalt  }
0x5a: {  	_ =	shalt  }
0x5b: {  	_ =	shalt  }
0x5c: {  	_ =	shalt  }
0x5d: {  	_ =	shalt  }
0x5e: {  	_ =	shalt  }
0x5f: {  	_ =	shalt  }
0x60: {  	_ =	shalt  }
0x61: {  	_ =	shalt  }
0x62: {  	_ =	shalt  }
0x63: {  	_ =	shalt  }
0x64: {  	_ =	shalt  }
0x65: {  	_ =	shalt  }
0x66: {  	_ =	shalt  }
0x67: {  	_ =	shalt  }
0x68: {  	_ =	shalt  }
0x69: {  	_ =	shalt  }
0x6a: {  	_ =	shalt  }
0x6b: {  	_ =	shalt  }
0x6c: {  	_ =	shalt  }
0x6d: {  	_ =	shalt  }
0x6e: {  	_ =	shalt  }
0x6f: {  	_ =	shalt  }
0x70: {  	_ =	shalt  }
0x71: {  	_ =	shalt  }
0x72: {  	_ =	shalt  }
0x73: {  	_ =	shalt  }
0x74: {  	_ =	shalt  }
0x75: {  	_ =	shalt  }
0x76: {  	_ =	shalt  }
0x77: {  	_ =	shalt  }
0x78: {  	_ =	shalt  }
0x79: {  	_ =	shalt  }
0x7a: {  	_ =	shalt  }
0x7b: {  	_ =	shalt  }
0x7c: {  	_ =	shalt  }
0x7d: {  	_ =	shalt  }
0x7e: {  	_ =	shalt  }
0x7f: {  	_ =	shalt  }
0x80: {  	_ =	shalt  }
0x81: {  	_ =	shalt  }
0x82: {  	_ =	shalt  }
0x83: {  	_ =	shalt  }
0x84: {  	_ =	shalt  }
0x85: {  	_ =	shalt  }
0x86: {  	_ =	shalt  }
0x87: {  	_ =	shalt  }
.Lfunc_end0:
.L_simem_size_0:
called_computation_lowered:
.L_overlay_start_0:
0x88: {  	s2 =	sld [smem:$0x3FD9]  }
0x89: {  	s3 =	sld [smem:$0x3FFE];
	_ =	sdelay $0x1  }
0x8a: {  	s1 =	srdreg.scid  }
0x8b: {  	s0 =	sand.u32 $0x1, s1  }
0x8c: {  	s17 =	sshll.u32 s0, $0xA;
	s2 =	sadd.s32 s3, s2  }
0x8d: {  	s2 =	sadd.s32 s2, s17  }
0x8e: {  	[smem:$0x3FC0] =	sst s2  }
0x8f: {  	_ = 	snop  }
0x90: {  	s2 =	sld [smem:$0x3FC9]  }
0x91: {  	s18 =	sld [smem:$0x3FD0];
	(tm) =	ssettm $0x1  }
0x92: {  	s4 =	sld [smem:$0x3FFB];
	_ =	sdelay $0x3  }
0x93: {  	_ =	strace s4  }
0x94: {  	s4 =	sld [smem:$0x3FFC];
	_ =	sdelay $0x3  }
0x95: {  	_ =	strace s4  }
0x96: {  	s4 =	sld [smem:$0x3FFD];
	_ =	sdelay $0x3  }
0x97: {  	_ =	strace s4  }
0x98: {  	_ =	strace $0x8FFFFFFF  }
0x99: {  	s19 =	sld [smem:$0x3FDB];
	_ =	sdelay $0x1  }
0x9a: {  	s5 =	simm.s32 $_scs_section_size  }
0x9b: {  	s6 =	simm.s32 $_size__tile_overlayer_lowered;
	s7 =	simm.s32 $_tile_overlayer_lowered  }
0x9c: {  	s22 =	simm.s32 $0x1BFF;
	s21 =	sshll.u32 s7, $0x1;
	s4 =	sadd.s32 s5, s19  }
0x9d: {  	s8 =	simm.s32 $0x0;
	s20 =	sshll.u32 s6, $0x1;
	s6 =	sadd.s32 s21, s4  }
0x9e: {  	[timem:s8], [sflag:s22] =	dma.local [hbm:s6], s20  }
0x9f: {  	_ =	swait.ge [sflag:s22], s20  }
0xa0: {  	s5 =	ssub.s32 $0x0, s20;
	[sflag:s22] =	ssyncset.done $0x0  }
0xa1: {  	[sflag:s22] =	ssyncadd.s32 s5;
	_ =	sdelay $0x1  }
0xa2: {  	s23 =	simm.s32 $0x1B8B  }
0xa3: {  	_ =	swait.ge [sflag:s23], $0x1  }
0xa4: {  	[sflag:s23] =	ssyncset.done $0x0  }
0xa5: {  	s25 =	simm.s32 $0x1B8E;
	s24 =	sld [smem:$0x3FFE];
	[sflag:s23] =	ssyncadd.s32 $0xFFFFFFFF  }
0xa6: {  	s26 =	simm.s32 $execute0_lowered;
	[smem:$0x3FD2] =	sst s25  }
0xa7: {  	s6 =	sshll.u32 s26, $0x1;
	_ =	strace $0x80000046;
	[dreg:$0x1] =	wrdreg $0xFFFFFFFF  }
0xa8: {  	s28 =	simm.s32 $_size_execute0_lowered;
	s4 =	sadd.s32 s4, s6;
	[dreg:$0x0] =	wrdreg $0x0  }
0xa9: {  	s6 =	sshll.u32 s28, $0x1;
	[dreg:$0x2] =	wrdreg s4  }
0xaa: {  	[dreg:$0x3] =	wrdreg s6  }
0xab: {  	[dreg:$0x4] =	wrdreg $0xC0  }
0xac: {  	_ =	task [dreg:s8], $0x5FFFF  }
0xad: {  	[dreg:$0x1] =	wrdreg $0xFFFFFFFF  }
0xae: {  	[dreg:$0x0] =	wrdreg $0x60  }
0xaf: {  	[dreg:$0x2] =	wrdreg s2  }
0xb0: {  	[dreg:$0x3] =	wrdreg s18  }
0xb1: {  	[dreg:$0x4] =	wrdreg s24  }
0xb2: {  	[dreg:$0x5] =	wrdreg $0x9  }
0xb3: {  	_ =	task.clear_ibuf [dreg:s8], $0x6FFFF;
	_ =	strace $0x90000046  }
0xb4: {  	s29 =	simm.s32 $0x9;
	_ =	strace $0x80000048  }
0xb5: {  	_ =	swait.ge [sflag:s29], $0x1  }
0xb6: {  	[sflag:s29] =	ssyncadd.s32 $0xFFFFFFFF  }
0xb7: {  	_ =	strace $0x90000048  }
0xb8: {  	_ =	sfence  }
0xb9: {  	s30 =	sld [smem:$0x0];
	_ =	sdelay $0x2  }
0xba: {  	s31 =	sshll.u32 s1, $0xD;
	s1 =	sshrl.u32 s1, $0x2  }
0xbb: {  	s3 =	sand.u32 $0x4000, s31;
	s1 =	sadd.s32 s1, s30  }
0xbc: {  	s0 =	sor.u32 s3, s0;
	s1 =	sshll.u32 s1, $0x11  }
0xbd: {  	s0 =	sor.u32 s1, s0  }
0xbe: {  	s0 =	sadd.s32 $0x8F2B, s0  }
0xbf: {  	[sflag:s0] =	ssyncadd.remote.s32 $0x1  }
0xc0: {  	_ =	sfence.sel $0xFFFF  }
0xc1: {  	[dreg:$0x0] =	wrdreg $0xFFFFFFFF;
	(pc) =	sbr.abs _section_cstart, $3  }
0xc2: {  	[dreg:$0x1] =	wrdreg $0xFFFFFFFF  }
0xc3: {  	_ =	task.clear_ibuf [dreg:s8], $0x2FFFF;
	_ =	strace $0x9FFFFFFF  }
0xc4: {  	(tm) =	ssettm $0x7FFFFFFF  }
0xc5: {  	_ =	shalt  }
tec
execute0_lowered:
.L_overlay_start_1:
0x0: {  	(tag) =	ssettag $0x1  }
0x1: {  	s0 =	srdreg.scid  }
0x2: {  	s10 =	sand.u32 $0x1, s0;
	s0 =	stileid.u32  }
0x3: {  	s4 =	sshll.u32 s0, $0x1;
	s5 =	ssub.s32 $0x0, s10  }
0x4: {  	p0 =	sne.s32 s4, s5  }
.Ltmp0:
0x5: {  	_ = 	snop;
	(pc) =	sbr.rel @p0 .LBB2_4-.Ltmp0, $4  }
0x6: {  	s2 =	rddreg [dreg:$0x0]  }
0x7: {  	s3 =	rddreg [dreg:$0x1]  }
0x8: {  	s12 =	rddreg [dreg:$0x2]  }
0x9: {  	s1 =	rddreg [dreg:$0x3];
	_ =	strace $0x80000047  }
0xa: {  	s5 =	simm.s32 $0x0;
	s4 =	simm.s32 $0x2  }
0xb: {  	[tilespmem:s5], [sflag:$0x2] =	stream.linear.gather [hbm4b:s3+s5], $0x80, $0x38;
	[tilespmem:$0x2080] =	vst v63  }
0xc: {  	_ =	swait.ge [sflag:s4], $0x80  }
0xd: {  	[sflag:s4] =	ssyncset.done $0x0  }
0xe: {  	[sflag:s4] =	ssyncadd.s32 $0xFFFFFF80  }
0xf: {  	v0 =	vld [tilespmem:$0x0];
	_ =	sdelay $0x4  }
0x10: {  	v1 =	vshll.u32 v0, $0x2  }
0x11: {  	v2 =	vlaneseq.u32;
	v3 =	vand.u32 $0x7, v0;
	v1 =	vand.u32 $0xFFFFFFE0, v1  }
0x12: {  	v4 =	vshrl.u32 v2, $0x3;
	v0 =	vand.u32 $0x7, v2;
	v3 =	vor.u32 v3, v1  }
0x13: {  	v1 =	vmul.u32 $0x8, v4;
	v63 =	vperm.xlane v3, v0;
	_ =	sdelay $0x1  }
0x14: {  	v4 =	vadd.s32 v1, v63  }
0x15: {  	v2 =	vor.u32 $0x8, v2  }
0x16: {  	v3 =	vperm.xlane v3, v2;
	_ =	sdelay $0x1  }
0x17: {  	vm0 =	vmmov $0xffff;
	s6 =	simm.s32 $0x80;
	s13 =	ssub.s32 $0x2, s10;
	v3 =	vadd.s32 v1, v3  }
0x18: {  	[tilespmem:s6], [sflag:$0x1] =	stream.indirect_vreg.gather [hbm4b:s2+s5], $0x80, v4, vm0, $0xb8;
	[tilespmem:$0x2080] =	vst v63  }
0x19: {  	s7 =	sadd.s32 $0x100, s2;
	s8 =	simm.s32 $0x880;
	s14 =	sshrl.u32 s13, $0x1  }
0x1a: {  	[tilespmem:s8], [sflag:$0x1] =	stream.indirect_vreg.gather [hbm4b:s7+s5], $0x80, v4, vm0, $0xb8;
	[tilespmem:$0x2080] =	vst v63  }
0x1b: {  	s9 =	simm.s32 $0x1080;
	s13 =	ssub.s32 s13, s14  }
0x1c: {  	[tilespmem:s9], [sflag:$0x1] =	stream.indirect_vreg.gather [hbm4b:s2+s5], $0x80, v3, vm0, $0xb8;
	[tilespmem:$0x2080] =	vst v63  }
0x1d: {  	s10 =	simm.s32 $0x1880;
	s11 =	simm.s32 $0x1;
	s13 =	smax.u32 s13, $0x1  }
0x1e: {  	[tilespmem:s10], [sflag:$0x1] =	stream.indirect_vreg.gather [hbm4b:s7+s5], $0x80, v3, vm0, $0xb8;
	[tilespmem:$0x2080] =	vst v63  }
0x1f: {  	p0 =	sne.s32 s13, $0x1;
	_ =	swait.ge [sflag:s11], $0x2000  }
.Ltmp1:
0x20: {  	[sflag:s11] =	ssyncset.done $0x0;
	(pc) =	sbr.rel @!p0 .LBB2_3-.Ltmp1, $4  }
0x21: {  	s12 =	sadd.s32 $0x1200, s12;
	[sflag:s11] =	ssyncadd.s32 $0xFFFFE000  }
0x22: {  	[hbm4b:s12+s5] =	stream.linear.scatter [tilespmem:s6], [sflag:$0x2], $0x2000, $0x38;
	[tilespmem:$0x2080] =	vst v63  }
0x23: {  	_ =	swait.ge [sflag:s4], $0x2000  }
0x24: {  	s13 =	sadd.s32 $0xFFFFFFFF, s13;
	[sflag:s4] =	ssyncset.done $0x0  }
.LBB2_2:
0x25: {  	p0 =	sne.s32 s13, $0x1;
	s13 =	sadd.s32 $0xFFFFFFFF, s13;
	[sflag:s4] =	ssyncadd.s32 $0xFFFFE000  }
0x26: {  	[tilespmem:s5], [sflag:$0x2] =	stream.linear.gather [hbm4b:s3+s5], $0x80, $0x38;
	[tilespmem:$0x2080] =	vst v63  }
0x27: {  	_ =	swait.ge [sflag:s4], $0x80  }
0x28: {  	[sflag:s4] =	ssyncset.done $0x0  }
0x29: {  	[sflag:s4] =	ssyncadd.s32 $0xFFFFFF80  }
0x2a: {  	v3 =	vld [tilespmem:$0x0];
	_ =	sdelay $0x4  }
0x2b: {  	v4 =	vshll.u32 v3, $0x2  }
0x2c: {  	v3 =	vand.u32 $0x7, v3;
	v4 =	vand.u32 $0xFFFFFFE0, v4  }
0x2d: {  	v3 =	vor.u32 v3, v4  }
0x2e: {  	v4 =	vperm.xlane v3, v0;
	v3 =	vperm.xlane v3, v2;
	_ =	sdelay $0x1  }
0x2f: {  	v4 =	vadd.s32 v1, v4;
	_ =	sdelay $0x3  }
0x30: {  	v3 =	vadd.s32 v1, v3  }
0x31: {  	[tilespmem:s6], [sflag:$0x1] =	stream.indirect_vreg.gather [hbm4b:s2+s5], $0x80, v4, vm0, $0xb8;
	[tilespmem:$0x2080] =	vst v63  }
0x32: {  	_ = 	snop  }
0x33: {  	[tilespmem:s8], [sflag:$0x1] =	stream.indirect_vreg.gather [hbm4b:s7+s5], $0x80, v4, vm0, $0xb8;
	[tilespmem:$0x2080] =	vst v63  }
0x34: {  	_ = 	snop  }
0x35: {  	[tilespmem:s9], [sflag:$0x1] =	stream.indirect_vreg.gather [hbm4b:s2+s5], $0x80, v3, vm0, $0xb8;
	[tilespmem:$0x2080] =	vst v63  }
0x36: {  	_ = 	snop  }
0x37: {  	[tilespmem:s10], [sflag:$0x1] =	stream.indirect_vreg.gather [hbm4b:s7+s5], $0x80, v3, vm0, $0xb8;
	[tilespmem:$0x2080] =	vst v63  }
0x38: {  	_ =	swait.ge [sflag:s11], $0x2000  }
.Ltmp2:
0x39: {  	[sflag:s11] =	ssyncset.done $0x0;
	(pc) =	sbr.rel @p0 .LBB2_2-.Ltmp2, $4  }
0x3a: {  	[sflag:s11] =	ssyncadd.s32 $0xFFFFE000  }
0x3b: {  	[hbm4b:s12+s5] =	stream.linear.scatter [tilespmem:s6], [sflag:$0x2], $0x2000, $0x38;
	[tilespmem:$0x2080] =	vst v63  }
0x3c: {  	_ =	swait.ge [sflag:s4], $0x2000  }
0x3d: {  	[sflag:s4] =	ssyncset.done $0x0  }
.LBB2_3:
0x3e: {  	[sflag:s4] =	ssyncadd.s32 $0xFFFFE000  }
.LBB2_4:
0x3f: {  	_ =	sfence.sel $0x180000  }
0x40: {  	[bflag:$0x0] =	sbarrier.arrive $0xFFFF  }
0x41: {  	p0 =	sne.s32 s0, $0x0;
	_ =	strace $0x90000047  }
0x42: {  	s0 =	sadd.s32 @!p0 $0x100000, s1;
	[bflag:$0x2] =	sbarrier.arrive $0xFFFF  }
0x43: {  	[sflag:s0] =	ssyncadd.tile.s32 @!p0 $0x1;
	_ =	shalt  }
.Lfunc_end2:
_tile_overlayer_lowered:
.L_overlay_start_2:
0x44: {  	(tag) =	ssettag $0x2  }
0x45: {  	s0 =	rddreg [dreg:$0x0];
	s2 =	stileid.u32  }
0x46: {  	s1 =	rddreg [dreg:$0x1];
	p0 =	sne.s32 s2, $0x0  }
0x47: {  	s3 =	rddreg [dreg:$0x2];
	[bflag:$0x3] =	sbarrier.arrive $0xFFFF;
	s2 =	simm.s32 @!p0 $0x1C02  }
0x48: {  	[timem:s3], [sflag:s2] =	dma.local @!p0 [hbm:s0], s1  }
0x49: {  	s0 =	simm.s32 @!p0 $0x2  }
0x4a: {  	_ =	swait.ge @!p0 [sflag:s0], s1  }
0x4b: {  	s1 =	ssub.s32 @!p0 $0x0, s1;
	[sflag:s0] =	ssyncset.done @!p0 $0x0  }
0x4c: {  	[sflag:s0] =	ssyncadd.s32 @!p0 s1  }
0x4d: {  	[bflag:$0x3] =	sbarrier.arrive $0xFFFF  }
0x4e: {  	_ =	shalt  }

</sc_bundles>
